<compile_context>
chip_gen: v7x
topology: tpu7x:2x2x1
jax: 0.10.2.dev20260603
libtpu: 0.0.44.dev20260713+nightly
codegen_flags: <defaults>
</compile_context>

<pallas_src>
import functools
import math

import jax
import jax.numpy as jnp
from jax import lax
from jax.experimental import pallas as pl
from jax.experimental.pallas import tpu as pltpu
from jax.experimental.pallas import tpu_sc as plsc

N_PART = 100000
N_EDGE = 6400000
SUPPORT = 0.05
KGRAD = -20.0 * 7.0 / (math.pi * SUPPORT * SUPPORT) / SUPPORT

NC, NS, L = 2, 16, 16
NW = NC * NS
B = 128
NP = 100352
RPT = NP // NS
LASTR = N_PART - 15 * RPT
EPW = N_EDGE // NW
CHUNK = 800
NCHUNK = EPW // CHUNK
NPAIR = NCHUNK // 2
CSTEPS = CHUNK // L
DBLKS = CHUNK // B + 2
DSLAB = DBLKS * 2 * B
VRP = 784
VRL = LASTR - 7 * VRP

_mesh = plsc.VectorSubcoreMesh(
    core_axis_name="c", subcore_axis_name="s", num_cores=NC, num_subcores=NS
)


@functools.partial(
    pl.kernel,
    out_type=jax.ShapeDtypeStruct((NC, NP), jnp.float32),
    mesh=_mesh,
    scratch_types=[
        pltpu.VMEM_SHARED((NP,), jnp.float32),
        pltpu.VMEM_SHARED((NP,), jnp.float32),
        pltpu.VMEM((NP,), jnp.int32),
        pltpu.VMEM((VRP,), jnp.float32),
        [pltpu.VMEM((CHUNK,), jnp.int32) for _ in range(2)],
        [pltpu.VMEM((CHUNK,), jnp.int32) for _ in range(2)],
        [pltpu.VMEM((CHUNK,), jnp.float32) for _ in range(2)],
        [pltpu.VMEM((DSLAB,), jnp.float32) for _ in range(2)],
        [pltpu.VMEM((CHUNK,), jnp.float32) for _ in range(2)],
        [pltpu.VMEM((CHUNK,), jnp.float32) for _ in range(2)],
        [pltpu.SemaphoreType.DMA for _ in range(2)],
        [pltpu.SemaphoreType.DMA for _ in range(2)],
        [pltpu.SemaphoreType.DMA for _ in range(2)],
    ],
    compiler_params=pltpu.CompilerParams(
        needs_layout_passes=False, use_tc_tiling_on_sc=False
    ),
)
def _sc_dpdt(ei_hbm, ej_hbm, vr_hbm, upk_hbm, dblk_hbm, rad_hbm,
             out_hbm,
             vrt, dpdt, upk, vrbuf,
             ei, ej, rad, dst, vrj, cbuf, slin, sgat, ssc):
    cid = lax.axis_index("c")
    sid = lax.axis_index("s")
    wid = sid * NC + cid
    iota = lax.iota(jnp.int32, L)
    himask = jnp.full((L,), -0x10000, jnp.int32)

    nbase = sid * RPT
    pltpu.sync_copy(upk_hbm, upk)

    def vrpiece(rows0, nrows):
        pltpu.sync_copy(vr_hbm.at[pl.ds(rows0, nrows)],
                        vrbuf.at[pl.ds(0, nrows)])
        pltpu.sync_copy(vrbuf.at[pl.ds(0, nrows)], vrt.at[pl.ds(rows0, nrows)])

    def vr_full(p, carry):
        vrpiece(nbase + p * VRP, VRP)
        return carry

    @pl.when(sid < NS - 1)
    def _():
        lax.fori_loop(0, 8, vr_full, 0)

    @pl.when(sid == NS - 1)
    def _():
        lax.fori_loop(0, 7, vr_full, 0)
        vrpiece(nbase + 7 * VRP, VRL)

    def zstep(k, carry):
        vrbuf[pl.ds(k * L, L)] = jnp.zeros((L,), jnp.float32)
        return carry

    lax.fori_loop(0, VRP // L, zstep, 0)

    def zpiece(p, carry):
        pltpu.sync_copy(vrbuf, dpdt.at[pl.ds(nbase + p * VRP, VRP)])
        return carry

    lax.fori_loop(0, 8, zpiece, 0)

    plsc.subcore_barrier()

    ebase0 = wid * EPW

    def slab_start(eb):
        return jnp.minimum(eb >> 7, N_EDGE // B - DBLKS)

    def issue_lin(eb, b):
        pltpu.async_copy(ei_hbm.at[pl.ds(eb, CHUNK)], ei[b], slin[b])
        pltpu.async_copy(ej_hbm.at[pl.ds(eb, CHUNK)], ej[b], slin[b])
        pltpu.async_copy(rad_hbm.at[pl.ds(eb, CHUNK)], rad[b], slin[b])
        pltpu.async_copy(dblk_hbm.at[pl.ds(slab_start(eb) * (2 * B), DSLAB)],
                         dst[b], slin[b])

    def wait_lin(b):
        pltpu.make_async_copy(ei_hbm.at[pl.ds(0, CHUNK)], ei[b], slin[b]).wait()
        pltpu.make_async_copy(ej_hbm.at[pl.ds(0, CHUNK)], ej[b], slin[b]).wait()
        pltpu.make_async_copy(rad_hbm.at[pl.ds(0, CHUNK)], rad[b],
                              slin[b]).wait()
        pltpu.make_async_copy(dblk_hbm.at[pl.ds(0, DSLAB)], dst[b],
                              slin[b]).wait()

    def compute(eb, b, k0, ksteps):
        off0 = eb - slab_start(eb) * B

        def step(k, inner):
            sl = pl.ds(k * L, L)
            r = rad[b][sl]
            q = jnp.minimum(jnp.maximum(r, 0.0), 1.0)
            om = 1.0 - q
            w = (om * om) * (om * q) * KGRAD
            off = off0 + k * L + iota
            idx = ((off >> 7) << 8) + (off & (B - 1))
            dx = plsc.load_gather(dst[b], [idx])
            dy = plsc.load_gather(dst[b], [idx + B])
            wj = plsc.load_gather(upk, [ej[b][sl]])
            wi = plsc.load_gather(upk, [ei[b][sl]])
            uxj = plsc.bitcast(wj << 16, jnp.float32)
            uyj = plsc.bitcast(wj & himask, jnp.float32)
            uxi = plsc.bitcast(wi << 16, jnp.float32)
            uyi = plsc.bitcast(wi & himask, jnp.float32)
            prod = (uxj - uxi) * dx + (uyj - uyi) * dy
            cbuf[b][sl] = prod * w * vrj[b][sl]
            return inner

        lax.fori_loop(k0, k0 + ksteps, step, 0)

    def wait_scatter(b):
        pltpu.make_async_copy(cbuf[b], dpdt.at[ei[b]], ssc[b]).wait()

    issue_lin(ebase0, 0)
    CH2 = CHUNK // 2

    def half(eb, b, skip_scwait, issue_next):
        wait_lin(b)
        ga = pltpu.async_copy(vrt.at[ej[b].at[pl.ds(0, CH2)]],
                              vrj[b].at[pl.ds(0, CH2)], sgat[b])
        gb = pltpu.async_copy(vrt.at[ej[b].at[pl.ds(CH2, CH2)]],
                              vrj[b].at[pl.ds(CH2, CH2)], sgat[b])

        @pl.when(jnp.logical_not(skip_scwait))
        def _():
            wait_scatter(1 - b)

        @pl.when(issue_next)
        def _():
            issue_lin(eb + CHUNK, 1 - b)

        ga.wait()
        compute(eb, b, 0, CSTEPS // 2)
        gb.wait()
        compute(eb, b, CSTEPS // 2, CSTEPS // 2)
        pltpu.async_copy(cbuf[b], dpdt.at[ei[b]], ssc[b], add=True)

    true_s = jnp.bool_(True)

    def pair_body(c2, carry):
        eb0 = ebase0 + (2 * c2) * CHUNK
        half(eb0, 0, c2 == 0, true_s)
        half(eb0 + CHUNK, 1, jnp.bool_(False), c2 < NPAIR - 1)
        return carry

    lax.fori_loop(0, NPAIR, pair_body, 0)
    wait_scatter(1)

    plsc.subcore_barrier()
    pltpu.sync_copy(dpdt.at[pl.ds(nbase, RPT)],
                    out_hbm.at[cid, pl.ds(nbase, RPT)])


def _combine_body(p_ref, o_ref):
    o_ref[...] = -(p_ref[0, :N_PART] + p_ref[1, :N_PART])


_combine = pl.pallas_call(
    _combine_body,
    out_shape=jax.ShapeDtypeStruct((N_PART,), jnp.float32),
)


def _prep_body(u_ref, v_ref, rho_ref, upk_ref, vr_ref):
    x = jax.lax.bitcast_convert_type(u_ref[:, 0, :], jnp.int32)
    y = jax.lax.bitcast_convert_type(u_ref[:, 1, :], jnp.int32)
    lo = lax.shift_right_logical(x + 0x8000, 16)
    hi = (y + 0x8000) & jnp.int32(-0x10000)
    upk_ref[...] = lo | hi
    vr_ref[...] = v_ref[...] * rho_ref[...]


_prep = pl.pallas_call(
    _prep_body,
    out_shape=(
        jax.ShapeDtypeStruct((NP // B, B), jnp.int32),
        jax.ShapeDtypeStruct((N_PART,), jnp.float32),
    ),
)


def _planar(x, nblocks):
    return x.reshape(nblocks, B, 2).transpose(0, 2, 1)


def kernel(edge_i, edge_j, V, rho, u, distances, radialDistances):
    ei = edge_i.astype(jnp.int32)
    ej = edge_j.astype(jnp.int32)
    u_p = jnp.pad(u, ((0, NP - N_PART), (0, 0)))
    upkd, vr = _prep(_planar(u_p, NP // B), V, rho)
    dblk = _planar(distances, N_EDGE // B).reshape(-1)
    part = _sc_dpdt(ei, ej, vr, upkd.reshape(-1), dblk, radialDistances)
    return _combine(part)

# --- scband reference (transcript-rebuilt; emitter-appended) ---
"""Pipeline reference for scband-momentum-module-47021301957200 (READ-ONLY COPY).

The authoritative reference and input builder live on the scoring server;
editing this copy changes nothing except your own understanding.
"""

import jax, jax.numpy as jnp
import numpy as np

N_PARTICLES = 100000
N_EDGES = 6400000
SUPPORT = 0.05


def kernel_gradient(radial, directions, h):
    # Wendland C2 kernel in 2D: W(q) = C * (1-q)^4 * (1+4q), q = r/h in [0,1]
    # dW/dq = C * (-20 q (1-q)^3);  gradW = dir * (dW/dq) / h
    C = 7.0 / (jnp.pi * h * h)
    q = jnp.clip(radial, 0.0, 1.0)
    dWdq = C * (-20.0 * q * (1.0 - q) ** 3)
    dWdr = dWdq / h
    return directions * dWdr[:, None]


def setup_inputs(seed: int = 0) -> dict:
    key = jax.random.key(seed)
    k1, k2, k3, k4, k5, k6, k7 = jax.random.split(key, 7)
    edge_i = jax.random.randint(k1, (N_EDGES,), 0, N_PARTICLES, dtype=jnp.int64) if jax.config.jax_enable_x64 else jax.random.randint(k1, (N_EDGES,), 0, N_PARTICLES, dtype=jnp.int32)
    edge_j = jax.random.randint(k2, (N_EDGES,), 0, N_PARTICLES, dtype=jnp.int64) if jax.config.jax_enable_x64 else jax.random.randint(k2, (N_EDGES,), 0, N_PARTICLES, dtype=jnp.int32)
    V = jax.random.uniform(k3, (N_PARTICLES,), dtype=jnp.float32)
    rho = jax.random.uniform(k4, (N_PARTICLES,), dtype=jnp.float32)
    u = jax.random.normal(k5, (N_PARTICLES, 2), dtype=jnp.float32)
    d = jax.random.normal(k6, (N_EDGES, 2), dtype=jnp.float32)
    d = d / (jnp.linalg.norm(d, axis=1, keepdims=True) + 1e-7)
    radialDistances = jax.random.uniform(k7, (N_EDGES,), dtype=jnp.float32)
    return {
        'edge_i': edge_i,
        'edge_j': edge_j,
        'V': V,
        'rho': rho,
        'u': u,
        'distances': d,
        'radialDistances': radialDistances,
    }


def reference(edge_i, edge_j, V, rho, u, distances, radialDistances):
    # computeDivergenceTerm: drho/dt continuity equation of delta-SPH
    gradW = kernel_gradient(radialDistances, distances, SUPPORT)
    uji = u[edge_j] - u[edge_i]
    prod = jnp.einsum('nu,nu->n', uji, gradW)
    contrib = prod * V[edge_j] * rho[edge_j]
    dpdt = -jax.ops.segment_sum(contrib, edge_i, num_segments=N_PARTICLES)
    return dpdt

if __name__ == "__main__":
    import jax
    _d = setup_inputs()
    print(jax.jit(kernel)(*tuple(_d.values())))

</pallas_src>

<mosaic_0001>
#map = affine_map<(d0, d1) -> (0)>
#map1 = affine_map<(d0, d1) -> (0, 0)>
module attributes {stable_mosaic.version = 14 : i64} {
  func.func @_sc_dpdt(%arg0: i32, %arg1: i32, %arg2: memref<6400000xi32, #tpu.memory_space<hbm>>, %arg3: memref<6400000xi32, #tpu.memory_space<hbm>>, %arg4: memref<100000xf32, #tpu.memory_space<hbm>>, %arg5: memref<100352xi32, #tpu.memory_space<hbm>>, %arg6: memref<12800000xf32, #tpu.memory_space<hbm>>, %arg7: memref<6400000xf32, #tpu.memory_space<hbm>>, %arg8: memref<2x100352xf32, #tpu.memory_space<hbm>>, %arg9: memref<100352xf32, #tpu.memory_space<vmem_shared>>, %arg10: memref<100352xf32, #tpu.memory_space<vmem_shared>>, %arg11: memref<100352xi32, #tpu.memory_space<vmem>>, %arg12: memref<784xf32, #tpu.memory_space<vmem>>, %arg13: memref<800xi32, #tpu.memory_space<vmem>>, %arg14: memref<800xi32, #tpu.memory_space<vmem>>, %arg15: memref<800xi32, #tpu.memory_space<vmem>>, %arg16: memref<800xi32, #tpu.memory_space<vmem>>, %arg17: memref<800xf32, #tpu.memory_space<vmem>>, %arg18: memref<800xf32, #tpu.memory_space<vmem>>, %arg19: memref<2048xf32, #tpu.memory_space<vmem>>, %arg20: memref<2048xf32, #tpu.memory_space<vmem>>, %arg21: memref<800xf32, #tpu.memory_space<vmem>>, %arg22: memref<800xf32, #tpu.memory_space<vmem>>, %arg23: memref<800xf32, #tpu.memory_space<vmem>>, %arg24: memref<800xf32, #tpu.memory_space<vmem>>, %arg25: memref<!tpu.dma_semaphore, #tpu.memory_space<semaphore_mem>>, %arg26: memref<!tpu.dma_semaphore, #tpu.memory_space<semaphore_mem>>, %arg27: memref<!tpu.dma_semaphore, #tpu.memory_space<semaphore_mem>>, %arg28: memref<!tpu.dma_semaphore, #tpu.memory_space<semaphore_mem>>, %arg29: memref<!tpu.dma_semaphore, #tpu.memory_space<semaphore_mem>>, %arg30: memref<!tpu.dma_semaphore, #tpu.memory_space<semaphore_mem>>) attributes {dimension_semantics = [#tpu.dimension_semantics<core_parallel>, #tpu.dimension_semantics<subcore_parallel>], iteration_bounds = array<i64: 2, 16>, scalar_prefetch = 0 : i64, scratch_operands = 22 : i64, tpu.core_type = #tpu.core_type<sc_vector_subcore>, window_params = [{transform_indices = #map}, {transform_indices = #map}, {transform_indices = #map}, {transform_indices = #map}, {transform_indices = #map}, {transform_indices = #map}, {transform_indices = #map1}]} {
    %mul3A = arith.constant 2 : i32
    %mul3A_0 = arith.muli %arg1, %mul3A : i32
    %add3A = arith.addi %mul3A_0, %arg0 : i32
    %iota3A = tpu.iota {dimensions = array<i32: 0>} : vector<16xi32>
    %broadcast_in_dim3A = arith.constant -65536 : i32
    %broadcast_in_dim3A_1 = vector.broadcast %broadcast_in_dim3A : i32 to vector<16xi32>
    %mul3A_2 = arith.constant 6272 : i32
    %mul3A_3 = arith.muli %arg1, %mul3A_2 : i32
    "tpu.region"() ({
      %run_scoped3A = tpu.sem_alloc : memref<!tpu.dma_semaphore, #tpu.memory_space<semaphore_mem>>
      tpu.enqueue_dma source(%arg5 : memref<100352xi32, #tpu.memory_space<hbm>>) target(%arg11 : memref<100352xi32, #tpu.memory_space<vmem>>) target_semaphore(%run_scoped3A : memref<!tpu.dma_semaphore, #tpu.memory_space<semaphore_mem>>)
      tpu.wait_dma2 semaphore(%run_scoped3A : memref<!tpu.dma_semaphore, #tpu.memory_space<semaphore_mem>>) src(%arg5 : memref<100352xi32, #tpu.memory_space<hbm>>) dst(%arg11 : memref<100352xi32, #tpu.memory_space<vmem>>)
      tpu.yield
    }) : () -> ()
    %lt3A = arith.constant 15 : i32
    %lt3A_4 = arith.cmpi slt, %arg1, %lt3A : i32
    %convert_element_type3A = arith.extui %lt3A_4 : i1 to i32
    %cond3A = arith.constant 0 : i32
    %cond3A_5 = arith.cmpi ne, %convert_element_type3A, %cond3A : i32
    scf.if %cond3A_5 {
      %scan3A_43 = arith.constant 0 : i32
      %scan3A_44 = arith.constant 0 : i32
      %scan3A_45 = arith.constant 8 : i32
      %scan3A_46 = arith.addi %scan3A_44, %scan3A_45 : i32
      %scan3A_47 = arith.constant 1 : i32
      scf.for %scan3A_49 = %scan3A_44 to %scan3A_46 step %scan3A_47  : i32 {
        %mul3A_50 = arith.constant 784 : i32
        %mul3A_51 = arith.muli %scan3A_49, %mul3A_50 : i32
        %add3A_52 = arith.addi %mul3A_3, %mul3A_51 : i32
        "tpu.region"() ({
          %run_scoped3A = tpu.sem_alloc : memref<!tpu.dma_semaphore, #tpu.memory_space<semaphore_mem>>
          %dma_start3A_53 = arith.constant 0 : i32
          %dma_start3A_54 = tpu.memref_slice %arg12[%dma_start3A_53] : memref<784xf32, #tpu.memory_space<vmem>> -> memref<784xf32, #tpu.memory_space<vmem>>
          %dma_start3A_55 = tpu.memref_slice %arg4[%add3A_52] : memref<100000xf32, #tpu.memory_space<hbm>> -> memref<784xf32, #tpu.memory_space<hbm>>
          %dma_start3A_56 = arith.constant 0 : i32
          %dma_start3A_57 = tpu.memref_slice %arg12[%dma_start3A_56] : memref<784xf32, #tpu.memory_space<vmem>> -> memref<784xf32, #tpu.memory_space<vmem>>
          %dma_start3A_58 = tpu.memref_slice %arg4[%add3A_52] : memref<100000xf32, #tpu.memory_space<hbm>> -> memref<784xf32, #tpu.memory_space<hbm>>
          tpu.enqueue_dma source(%dma_start3A_58 : memref<784xf32, #tpu.memory_space<hbm>>) target(%dma_start3A_57 : memref<784xf32, #tpu.memory_space<vmem>>) target_semaphore(%run_scoped3A : memref<!tpu.dma_semaphore, #tpu.memory_space<semaphore_mem>>)
          %dma_wait3A_59 = arith.constant 0 : i32
          %dma_wait3A_60 = tpu.memref_slice %arg12[%dma_wait3A_59] : memref<784xf32, #tpu.memory_space<vmem>> -> memref<784xf32, #tpu.memory_space<vmem>>
          %dma_wait3A_61 = tpu.memref_slice %arg4[%add3A_52] : memref<100000xf32, #tpu.memory_space<hbm>> -> memref<784xf32, #tpu.memory_space<hbm>>
          %dma_wait3A_62 = arith.constant 0 : i32
          %dma_wait3A_63 = tpu.memref_slice %arg12[%dma_wait3A_62] : memref<784xf32, #tpu.memory_space<vmem>> -> memref<784xf32, #tpu.memory_space<vmem>>
          %dma_wait3A_64 = tpu.memref_slice %arg4[%add3A_52] : memref<100000xf32, #tpu.memory_space<hbm>> -> memref<784xf32, #tpu.memory_space<hbm>>
          tpu.wait_dma2 semaphore(%run_scoped3A : memref<!tpu.dma_semaphore, #tpu.memory_space<semaphore_mem>>) src(%dma_wait3A_64 : memref<784xf32, #tpu.memory_space<hbm>>) dst(%dma_wait3A_63 : memref<784xf32, #tpu.memory_space<vmem>>)
          tpu.yield
        }) : () -> ()
        "tpu.region"() ({
          %run_scoped3A = tpu.sem_alloc : memref<!tpu.dma_semaphore, #tpu.memory_space<semaphore_mem>>
          %dma_start3A_53 = arith.constant 0 : i32
          %dma_start3A_54 = tpu.memref_slice %arg12[%dma_start3A_53] : memref<784xf32, #tpu.memory_space<vmem>> -> memref<784xf32, #tpu.memory_space<vmem>>
          %dma_start3A_55 = tpu.memref_slice %arg9[%add3A_52] : memref<100352xf32, #tpu.memory_space<vmem_shared>> -> memref<784xf32, #tpu.memory_space<vmem_shared>>
          %dma_start3A_56 = tpu.memref_slice %arg9[%add3A_52] : memref<100352xf32, #tpu.memory_space<vmem_shared>> -> memref<784xf32, #tpu.memory_space<vmem_shared>>
          %dma_start3A_57 = arith.constant 0 : i32
          %dma_start3A_58 = tpu.memref_slice %arg12[%dma_start3A_57] : memref<784xf32, #tpu.memory_space<vmem>> -> memref<784xf32, #tpu.memory_space<vmem>>
          tpu.enqueue_dma source(%dma_start3A_58 : memref<784xf32, #tpu.memory_space<vmem>>) target(%dma_start3A_56 : memref<784xf32, #tpu.memory_space<vmem_shared>>) target_semaphore(%run_scoped3A : memref<!tpu.dma_semaphore, #tpu.memory_space<semaphore_mem>>)
          %dma_wait3A_59 = arith.constant 0 : i32
          %dma_wait3A_60 = tpu.memref_slice %arg12[%dma_wait3A_59] : memref<784xf32, #tpu.memory_space<vmem>> -> memref<784xf32, #tpu.memory_space<vmem>>
          %dma_wait3A_61 = tpu.memref_slice %arg9[%add3A_52] : memref<100352xf32, #tpu.memory_space<vmem_shared>> -> memref<784xf32, #tpu.memory_space<vmem_shared>>
          %dma_wait3A_62 = tpu.memref_slice %arg9[%add3A_52] : memref<100352xf32, #tpu.memory_space<vmem_shared>> -> memref<784xf32, #tpu.memory_space<vmem_shared>>
          %dma_wait3A_63 = arith.constant 0 : i32
          %dma_wait3A_64 = tpu.memref_slice %arg12[%dma_wait3A_63] : memref<784xf32, #tpu.memory_space<vmem>> -> memref<784xf32, #tpu.memory_space<vmem>>
          tpu.wait_dma2 semaphore(%run_scoped3A : memref<!tpu.dma_semaphore, #tpu.memory_space<semaphore_mem>>) src(%dma_wait3A_64 : memref<784xf32, #tpu.memory_space<vmem>>) dst(%dma_wait3A_62 : memref<784xf32, #tpu.memory_space<vmem_shared>>)
          tpu.yield
        }) : () -> ()
      }
      %scan3A_48 = arith.constant 8 : i32
    } else {
    }
    %eq3A = arith.constant 15 : i32
    %eq3A_6 = arith.cmpi eq, %arg1, %eq3A : i32
    %convert_element_type3A_7 = arith.extui %eq3A_6 : i1 to i32
    %cond3A_8 = arith.constant 0 : i32
    %cond3A_9 = arith.cmpi ne, %convert_element_type3A_7, %cond3A_8 : i32
    scf.if %cond3A_9 {
      %scan3A_43 = arith.constant 0 : i32
      %scan3A_44 = arith.constant 0 : i32
      %scan3A_45 = arith.constant 7 : i32
      %scan3A_46 = arith.addi %scan3A_44, %scan3A_45 : i32
      %scan3A_47 = arith.constant 1 : i32
      scf.for %scan3A_51 = %scan3A_44 to %scan3A_46 step %scan3A_47  : i32 {
        %mul3A_52 = arith.constant 784 : i32
        %mul3A_53 = arith.muli %scan3A_51, %mul3A_52 : i32
        %add3A_54 = arith.addi %mul3A_3, %mul3A_53 : i32
        "tpu.region"() ({
          %run_scoped3A = tpu.sem_alloc : memref<!tpu.dma_semaphore, #tpu.memory_space<semaphore_mem>>
          %dma_start3A_55 = arith.constant 0 : i32
          %dma_start3A_56 = tpu.memref_slice %arg12[%dma_start3A_55] : memref<784xf32, #tpu.memory_space<vmem>> -> memref<784xf32, #tpu.memory_space<vmem>>
          %dma_start3A_57 = tpu.memref_slice %arg4[%add3A_54] : memref<100000xf32, #tpu.memory_space<hbm>> -> memref<784xf32, #tpu.memory_space<hbm>>
          %dma_start3A_58 = arith.constant 0 : i32
          %dma_start3A_59 = tpu.memref_slice %arg12[%dma_start3A_58] : memref<784xf32, #tpu.memory_space<vmem>> -> memref<784xf32, #tpu.memory_space<vmem>>
          %dma_start3A_60 = tpu.memref_slice %arg4[%add3A_54] : memref<100000xf32, #tpu.memory_space<hbm>> -> memref<784xf32, #tpu.memory_space<hbm>>
          tpu.enqueue_dma source(%dma_start3A_60 : memref<784xf32, #tpu.memory_space<hbm>>) target(%dma_start3A_59 : memref<784xf32, #tpu.memory_space<vmem>>) target_semaphore(%run_scoped3A : memref<!tpu.dma_semaphore, #tpu.memory_space<semaphore_mem>>)
          %dma_wait3A_61 = arith.constant 0 : i32
          %dma_wait3A_62 = tpu.memref_slice %arg12[%dma_wait3A_61] : memref<784xf32, #tpu.memory_space<vmem>> -> memref<784xf32, #tpu.memory_space<vmem>>
          %dma_wait3A_63 = tpu.memref_slice %arg4[%add3A_54] : memref<100000xf32, #tpu.memory_space<hbm>> -> memref<784xf32, #tpu.memory_space<hbm>>
          %dma_wait3A_64 = arith.constant 0 : i32
          %dma_wait3A_65 = tpu.memref_slice %arg12[%dma_wait3A_64] : memref<784xf32, #tpu.memory_space<vmem>> -> memref<784xf32, #tpu.memory_space<vmem>>
          %dma_wait3A_66 = tpu.memref_slice %arg4[%add3A_54] : memref<100000xf32, #tpu.memory_space<hbm>> -> memref<784xf32, #tpu.memory_space<hbm>>
          tpu.wait_dma2 semaphore(%run_scoped3A : memref<!tpu.dma_semaphore, #tpu.memory_space<semaphore_mem>>) src(%dma_wait3A_66 : memref<784xf32, #tpu.memory_space<hbm>>) dst(%dma_wait3A_65 : memref<784xf32, #tpu.memory_space<vmem>>)
          tpu.yield
        }) : () -> ()
        "tpu.region"() ({
          %run_scoped3A = tpu.sem_alloc : memref<!tpu.dma_semaphore, #tpu.memory_space<semaphore_mem>>
          %dma_start3A_55 = arith.constant 0 : i32
          %dma_start3A_56 = tpu.memref_slice %arg12[%dma_start3A_55] : memref<784xf32, #tpu.memory_space<vmem>> -> memref<784xf32, #tpu.memory_space<vmem>>
          %dma_start3A_57 = tpu.memref_slice %arg9[%add3A_54] : memref<100352xf32, #tpu.memory_space<vmem_shared>> -> memref<784xf32, #tpu.memory_space<vmem_shared>>
          %dma_start3A_58 = tpu.memref_slice %arg9[%add3A_54] : memref<100352xf32, #tpu.memory_space<vmem_shared>> -> memref<784xf32, #tpu.memory_space<vmem_shared>>
          %dma_start3A_59 = arith.constant 0 : i32
          %dma_start3A_60 = tpu.memref_slice %arg12[%dma_start3A_59] : memref<784xf32, #tpu.memory_space<vmem>> -> memref<784xf32, #tpu.memory_space<vmem>>
          tpu.enqueue_dma source(%dma_start3A_60 : memref<784xf32, #tpu.memory_space<vmem>>) target(%dma_start3A_58 : memref<784xf32, #tpu.memory_space<vmem_shared>>) target_semaphore(%run_scoped3A : memref<!tpu.dma_semaphore, #tpu.memory_space<semaphore_mem>>)
          %dma_wait3A_61 = arith.constant 0 : i32
          %dma_wait3A_62 = tpu.memref_slice %arg12[%dma_wait3A_61] : memref<784xf32, #tpu.memory_space<vmem>> -> memref<784xf32, #tpu.memory_space<vmem>>
          %dma_wait3A_63 = tpu.memref_slice %arg9[%add3A_54] : memref<100352xf32, #tpu.memory_space<vmem_shared>> -> memref<784xf32, #tpu.memory_space<vmem_shared>>
          %dma_wait3A_64 = tpu.memref_slice %arg9[%add3A_54] : memref<100352xf32, #tpu.memory_space<vmem_shared>> -> memref<784xf32, #tpu.memory_space<vmem_shared>>
          %dma_wait3A_65 = arith.constant 0 : i32
          %dma_wait3A_66 = tpu.memref_slice %arg12[%dma_wait3A_65] : memref<784xf32, #tpu.memory_space<vmem>> -> memref<784xf32, #tpu.memory_space<vmem>>
          tpu.wait_dma2 semaphore(%run_scoped3A : memref<!tpu.dma_semaphore, #tpu.memory_space<semaphore_mem>>) src(%dma_wait3A_66 : memref<784xf32, #tpu.memory_space<vmem>>) dst(%dma_wait3A_64 : memref<784xf32, #tpu.memory_space<vmem_shared>>)
          tpu.yield
        }) : () -> ()
      }
      %scan3A_48 = arith.constant 7 : i32
      %add3A_49 = arith.constant 5488 : i32
      %add3A_50 = arith.addi %mul3A_3, %add3A_49 : i32
      "tpu.region"() ({
        %run_scoped3A = tpu.sem_alloc : memref<!tpu.dma_semaphore, #tpu.memory_space<semaphore_mem>>
        %dma_start3A_51 = arith.constant 0 : i32
        %dma_start3A_52 = tpu.memref_slice %arg12[%dma_start3A_51] : memref<784xf32, #tpu.memory_space<vmem>> -> memref<432xf32, #tpu.memory_space<vmem>>
        %dma_start3A_53 = tpu.memref_slice %arg4[%add3A_50] : memref<100000xf32, #tpu.memory_space<hbm>> -> memref<432xf32, #tpu.memory_space<hbm>>
        %dma_start3A_54 = arith.constant 0 : i32
        %dma_start3A_55 = tpu.memref_slice %arg12[%dma_start3A_54] : memref<784xf32, #tpu.memory_space<vmem>> -> memref<432xf32, #tpu.memory_space<vmem>>
        %dma_start3A_56 = tpu.memref_slice %arg4[%add3A_50] : memref<100000xf32, #tpu.memory_space<hbm>> -> memref<432xf32, #tpu.memory_space<hbm>>
        tpu.enqueue_dma source(%dma_start3A_56 : memref<432xf32, #tpu.memory_space<hbm>>) target(%dma_start3A_55 : memref<432xf32, #tpu.memory_space<vmem>>) target_semaphore(%run_scoped3A : memref<!tpu.dma_semaphore, #tpu.memory_space<semaphore_mem>>)
        %dma_wait3A_57 = arith.constant 0 : i32
        %dma_wait3A_58 = tpu.memref_slice %arg12[%dma_wait3A_57] : memref<784xf32, #tpu.memory_space<vmem>> -> memref<432xf32, #tpu.memory_space<vmem>>
        %dma_wait3A_59 = tpu.memref_slice %arg4[%add3A_50] : memref<100000xf32, #tpu.memory_space<hbm>> -> memref<432xf32, #tpu.memory_space<hbm>>
        %dma_wait3A_60 = arith.constant 0 : i32
        %dma_wait3A_61 = tpu.memref_slice %arg12[%dma_wait3A_60] : memref<784xf32, #tpu.memory_space<vmem>> -> memref<432xf32, #tpu.memory_space<vmem>>
        %dma_wait3A_62 = tpu.memref_slice %arg4[%add3A_50] : memref<100000xf32, #tpu.memory_space<hbm>> -> memref<432xf32, #tpu.memory_space<hbm>>
        tpu.wait_dma2 semaphore(%run_scoped3A : memref<!tpu.dma_semaphore, #tpu.memory_space<semaphore_mem>>) src(%dma_wait3A_62 : memref<432xf32, #tpu.memory_space<hbm>>) dst(%dma_wait3A_61 : memref<432xf32, #tpu.memory_space<vmem>>)
        tpu.yield
      }) : () -> ()
      "tpu.region"() ({
        %run_scoped3A = tpu.sem_alloc : memref<!tpu.dma_semaphore, #tpu.memory_space<semaphore_mem>>
        %dma_start3A_51 = arith.constant 0 : i32
        %dma_start3A_52 = tpu.memref_slice %arg12[%dma_start3A_51] : memref<784xf32, #tpu.memory_space<vmem>> -> memref<432xf32, #tpu.memory_space<vmem>>
        %dma_start3A_53 = tpu.memref_slice %arg9[%add3A_50] : memref<100352xf32, #tpu.memory_space<vmem_shared>> -> memref<432xf32, #tpu.memory_space<vmem_shared>>
        %dma_start3A_54 = tpu.memref_slice %arg9[%add3A_50] : memref<100352xf32, #tpu.memory_space<vmem_shared>> -> memref<432xf32, #tpu.memory_space<vmem_shared>>
        %dma_start3A_55 = arith.constant 0 : i32
        %dma_start3A_56 = tpu.memref_slice %arg12[%dma_start3A_55] : memref<784xf32, #tpu.memory_space<vmem>> -> memref<432xf32, #tpu.memory_space<vmem>>
        tpu.enqueue_dma source(%dma_start3A_56 : memref<432xf32, #tpu.memory_space<vmem>>) target(%dma_start3A_54 : memref<432xf32, #tpu.memory_space<vmem_shared>>) target_semaphore(%run_scoped3A : memref<!tpu.dma_semaphore, #tpu.memory_space<semaphore_mem>>)
        %dma_wait3A_57 = arith.constant 0 : i32
        %dma_wait3A_58 = tpu.memref_slice %arg12[%dma_wait3A_57] : memref<784xf32, #tpu.memory_space<vmem>> -> memref<432xf32, #tpu.memory_space<vmem>>
        %dma_wait3A_59 = tpu.memref_slice %arg9[%add3A_50] : memref<100352xf32, #tpu.memory_space<vmem_shared>> -> memref<432xf32, #tpu.memory_space<vmem_shared>>
        %dma_wait3A_60 = tpu.memref_slice %arg9[%add3A_50] : memref<100352xf32, #tpu.memory_space<vmem_shared>> -> memref<432xf32, #tpu.memory_space<vmem_shared>>
        %dma_wait3A_61 = arith.constant 0 : i32
        %dma_wait3A_62 = tpu.memref_slice %arg12[%dma_wait3A_61] : memref<784xf32, #tpu.memory_space<vmem>> -> memref<432xf32, #tpu.memory_space<vmem>>
        tpu.wait_dma2 semaphore(%run_scoped3A : memref<!tpu.dma_semaphore, #tpu.memory_space<semaphore_mem>>) src(%dma_wait3A_62 : memref<432xf32, #tpu.memory_space<vmem>>) dst(%dma_wait3A_60 : memref<432xf32, #tpu.memory_space<vmem_shared>>)
        tpu.yield
      }) : () -> ()
    } else {
    }
    %scan3A = arith.constant 0 : i32
    %scan3A_10 = arith.constant 0 : i32
    %scan3A_11 = arith.constant 49 : i32
    %scan3A_12 = arith.addi %scan3A_10, %scan3A_11 : i32
    %scan3A_13 = arith.constant 1 : i32
    scf.for %scan3A_43 = %scan3A_10 to %scan3A_12 step %scan3A_13  : i32 {
      %broadcast_in_dim3A_44 = arith.constant 0.000000e+00 : f32
      %broadcast_in_dim3A_45 = vector.broadcast %broadcast_in_dim3A_44 : f32 to vector<16xf32>
      %mul3A_46 = arith.constant 16 : i32
      %mul3A_47 = arith.muli %scan3A_43, %mul3A_46 : i32
      %swap3A = arith.index_cast %mul3A_47 : i32 to index
      %swap3A_48 = tpu.vector_load %arg12[%swap3A] {strides = array<i32>} : memref<784xf32, #tpu.memory_space<vmem>>, vector<16xf32>,
      tpu.vector_store %arg12[%swap3A], %broadcast_in_dim3A_45 {strides = array<i32>} : memref<784xf32, #tpu.memory_space<vmem>>, vector<16xf32>,
    }
    %scan3A_14 = arith.constant 49 : i32
    %scan3A_15 = arith.constant 0 : i32
    %scan3A_16 = arith.constant 0 : i32
    %scan3A_17 = arith.constant 8 : i32
    %scan3A_18 = arith.addi %scan3A_16, %scan3A_17 : i32
    %scan3A_19 = arith.constant 1 : i32
    scf.for %scan3A_43 = %scan3A_16 to %scan3A_18 step %scan3A_19  : i32 {
      %mul3A_44 = arith.constant 784 : i32
      %mul3A_45 = arith.muli %scan3A_43, %mul3A_44 : i32
      %add3A_46 = arith.addi %mul3A_3, %mul3A_45 : i32
      "tpu.region"() ({
        %run_scoped3A = tpu.sem_alloc : memref<!tpu.dma_semaphore, #tpu.memory_space<semaphore_mem>>
        %dma_start3A_47 = tpu.memref_slice %arg10[%add3A_46] : memref<100352xf32, #tpu.memory_space<vmem_shared>> -> memref<784xf32, #tpu.memory_space<vmem_shared>>
        %dma_start3A_48 = tpu.memref_slice %arg10[%add3A_46] : memref<100352xf32, #tpu.memory_space<vmem_shared>> -> memref<784xf32, #tpu.memory_space<vmem_shared>>
        tpu.enqueue_dma source(%arg12 : memref<784xf32, #tpu.memory_space<vmem>>) target(%dma_start3A_48 : memref<784xf32, #tpu.memory_space<vmem_shared>>) target_semaphore(%run_scoped3A : memref<!tpu.dma_semaphore, #tpu.memory_space<semaphore_mem>>)
        %dma_wait3A_49 = tpu.memref_slice %arg10[%add3A_46] : memref<100352xf32, #tpu.memory_space<vmem_shared>> -> memref<784xf32, #tpu.memory_space<vmem_shared>>
        %dma_wait3A_50 = tpu.memref_slice %arg10[%add3A_46] : memref<100352xf32, #tpu.memory_space<vmem_shared>> -> memref<784xf32, #tpu.memory_space<vmem_shared>>
        tpu.wait_dma2 semaphore(%run_scoped3A : memref<!tpu.dma_semaphore, #tpu.memory_space<semaphore_mem>>) src(%arg12 : memref<784xf32, #tpu.memory_space<vmem>>) dst(%dma_wait3A_50 : memref<784xf32, #tpu.memory_space<vmem_shared>>)
        tpu.yield
      }) : () -> ()
    }
    %scan3A_20 = arith.constant 8 : i32
    %barrier3A = arith.constant 0 : index
    tpu.barrier barrier_id(%barrier3A)
    %mul3A_21 = arith.constant 200000 : i32
    %mul3A_22 = arith.muli %add3A, %mul3A_21 : i32
    %dma_start3A = tpu.memref_slice %arg2[%mul3A_22] : memref<6400000xi32, #tpu.memory_space<hbm>> -> memref<800xi32, #tpu.memory_space<hbm>>
    %dma_start3A_23 = tpu.memref_slice %arg2[%mul3A_22] : memref<6400000xi32, #tpu.memory_space<hbm>> -> memref<800xi32, #tpu.memory_space<hbm>>
    tpu.enqueue_dma source(%dma_start3A_23 : memref<800xi32, #tpu.memory_space<hbm>>) target(%arg13 : memref<800xi32, #tpu.memory_space<vmem>>) target_semaphore(%arg25 : memref<!tpu.dma_semaphore, #tpu.memory_space<semaphore_mem>>)
    %dma_start3A_24 = tpu.memref_slice %arg3[%mul3A_22] : memref<6400000xi32, #tpu.memory_space<hbm>> -> memref<800xi32, #tpu.memory_space<hbm>>
    %dma_start3A_25 = tpu.memref_slice %arg3[%mul3A_22] : memref<6400000xi32, #tpu.memory_space<hbm>> -> memref<800xi32, #tpu.memory_space<hbm>>
    tpu.enqueue_dma source(%dma_start3A_25 : memref<800xi32, #tpu.memory_space<hbm>>) target(%arg15 : memref<800xi32, #tpu.memory_space<vmem>>) target_semaphore(%arg25 : memref<!tpu.dma_semaphore, #tpu.memory_space<semaphore_mem>>)
    %dma_start3A_26 = tpu.memref_slice %arg7[%mul3A_22] : memref<6400000xf32, #tpu.memory_space<hbm>> -> memref<800xf32, #tpu.memory_space<hbm>>
    %dma_start3A_27 = tpu.memref_slice %arg7[%mul3A_22] : memref<6400000xf32, #tpu.memory_space<hbm>> -> memref<800xf32, #tpu.memory_space<hbm>>
    tpu.enqueue_dma source(%dma_start3A_27 : memref<800xf32, #tpu.memory_space<hbm>>) target(%arg17 : memref<800xf32, #tpu.memory_space<vmem>>) target_semaphore(%arg25 : memref<!tpu.dma_semaphore, #tpu.memory_space<semaphore_mem>>)
    %shift_right_arithmetic3A = arith.constant 7 : i32
    %shift_right_arithmetic3A_28 = arith.shrsi %mul3A_22, %shift_right_arithmetic3A : i32
    %min3A = arith.constant 49992 : i32
    %min3A_29 = arith.minsi %shift_right_arithmetic3A_28, %min3A : i32
    %mul3A_30 = arith.constant 256 : i32
    %mul3A_31 = arith.muli %min3A_29, %mul3A_30 : i32
    %dma_start3A_32 = tpu.memref_slice %arg6[%mul3A_31] : memref<12800000xf32, #tpu.memory_space<hbm>> -> memref<2048xf32, #tpu.memory_space<hbm>>
    %dma_start3A_33 = tpu.memref_slice %arg6[%mul3A_31] : memref<12800000xf32, #tpu.memory_space<hbm>> -> memref<2048xf32, #tpu.memory_space<hbm>>
    tpu.enqueue_dma source(%dma_start3A_33 : memref<2048xf32, #tpu.memory_space<hbm>>) target(%arg19 : memref<2048xf32, #tpu.memory_space<vmem>>) target_semaphore(%arg25 : memref<!tpu.dma_semaphore, #tpu.memory_space<semaphore_mem>>)
    %scan3A_34 = arith.constant 0 : i32
    %scan3A_35 = arith.constant true
    %scan3A_36 = arith.constant 0 : i32
    %scan3A_37 = arith.constant 125 : i32
    %scan3A_38 = arith.addi %scan3A_36, %scan3A_37 : i32
    %scan3A_39 = arith.constant 1 : i32
    scf.for %scan3A_43 = %scan3A_36 to %scan3A_38 step %scan3A_39  : i32 {
      %mul3A_44 = arith.constant 2 : i32
      %mul3A_45 = arith.muli %mul3A_44, %scan3A_43 : i32
      %mul3A_46 = arith.constant 800 : i32
      %mul3A_47 = arith.muli %mul3A_45, %mul3A_46 : i32
      %add3A_48 = arith.addi %mul3A_22, %mul3A_47 : i32
      %eq3A_49 = arith.constant 0 : i32
      %eq3A_50 = arith.cmpi eq, %scan3A_43, %eq3A_49 : i32
      %dma_wait3A_51 = arith.constant 0 : i32
      %dma_wait3A_52 = tpu.memref_slice %arg2[%dma_wait3A_51] : memref<6400000xi32, #tpu.memory_space<hbm>> -> memref<800xi32, #tpu.memory_space<hbm>>
      %dma_wait3A_53 = arith.constant 0 : i32
      %dma_wait3A_54 = tpu.memref_slice %arg2[%dma_wait3A_53] : memref<6400000xi32, #tpu.memory_space<hbm>> -> memref<800xi32, #tpu.memory_space<hbm>>
      tpu.wait_dma2 semaphore(%arg25 : memref<!tpu.dma_semaphore, #tpu.memory_space<semaphore_mem>>) src(%dma_wait3A_54 : memref<800xi32, #tpu.memory_space<hbm>>) dst(%arg13 : memref<800xi32, #tpu.memory_space<vmem>>)
      %dma_wait3A_55 = arith.constant 0 : i32
      %dma_wait3A_56 = tpu.memref_slice %arg3[%dma_wait3A_55] : memref<6400000xi32, #tpu.memory_space<hbm>> -> memref<800xi32, #tpu.memory_space<hbm>>
      %dma_wait3A_57 = arith.constant 0 : i32
      %dma_wait3A_58 = tpu.memref_slice %arg3[%dma_wait3A_57] : memref<6400000xi32, #tpu.memory_space<hbm>> -> memref<800xi32, #tpu.memory_space<hbm>>
      tpu.wait_dma2 semaphore(%arg25 : memref<!tpu.dma_semaphore, #tpu.memory_space<semaphore_mem>>) src(%dma_wait3A_58 : memref<800xi32, #tpu.memory_space<hbm>>) dst(%arg15 : memref<800xi32, #tpu.memory_space<vmem>>)
      %dma_wait3A_59 = arith.constant 0 : i32
      %dma_wait3A_60 = tpu.memref_slice %arg7[%dma_wait3A_59] : memref<6400000xf32, #tpu.memory_space<hbm>> -> memref<800xf32, #tpu.memory_space<hbm>>
      %dma_wait3A_61 = arith.constant 0 : i32
      %dma_wait3A_62 = tpu.memref_slice %arg7[%dma_wait3A_61] : memref<6400000xf32, #tpu.memory_space<hbm>> -> memref<800xf32, #tpu.memory_space<hbm>>
      tpu.wait_dma2 semaphore(%arg25 : memref<!tpu.dma_semaphore, #tpu.memory_space<semaphore_mem>>) src(%dma_wait3A_62 : memref<800xf32, #tpu.memory_space<hbm>>) dst(%arg17 : memref<800xf32, #tpu.memory_space<vmem>>)
      %dma_wait3A_63 = arith.constant 0 : i32
      %dma_wait3A_64 = tpu.memref_slice %arg6[%dma_wait3A_63] : memref<12800000xf32, #tpu.memory_space<hbm>> -> memref<2048xf32, #tpu.memory_space<hbm>>
      %dma_wait3A_65 = arith.constant 0 : i32
      %dma_wait3A_66 = tpu.memref_slice %arg6[%dma_wait3A_65] : memref<12800000xf32, #tpu.memory_space<hbm>> -> memref<2048xf32, #tpu.memory_space<hbm>>
      tpu.wait_dma2 semaphore(%arg25 : memref<!tpu.dma_semaphore, #tpu.memory_space<semaphore_mem>>) src(%dma_wait3A_66 : memref<2048xf32, #tpu.memory_space<hbm>>) dst(%arg19 : memref<2048xf32, #tpu.memory_space<vmem>>)
      %dma_start3A_67 = arith.constant 0 : i32
      %dma_start3A_68 = tpu.memref_slice %arg21[%dma_start3A_67] : memref<800xf32, #tpu.memory_space<vmem>> -> memref<400xf32, #tpu.memory_space<vmem>>
      %dma_start3A_69 = arith.constant 0 : i32
      %dma_start3A_70 = tpu.memref_slice %arg15[%dma_start3A_69] : memref<800xi32, #tpu.memory_space<vmem>> -> memref<400xi32, #tpu.memory_space<vmem>>
      %dma_start3A_71 = arith.constant 0 : i32
      %dma_start3A_72 = tpu.memref_slice %arg9[%dma_start3A_71] : memref<100352xf32, #tpu.memory_space<vmem_shared>> -> memref<100352xf32, #tpu.memory_space<vmem_shared>>
      tpu.enqueue_indirect_dma source(%dma_start3A_72 : memref<100352xf32, #tpu.memory_space<vmem_shared>>) target(%dma_start3A_68 : memref<400xf32, #tpu.memory_space<vmem>>) offsets(%dma_start3A_70 : memref<400xi32, #tpu.memory_space<vmem>>) semaphore(%arg27 : memref<!tpu.dma_semaphore, #tpu.memory_space<semaphore_mem>>)
      %dma_start3A_73 = arith.constant 400 : i32
      %dma_start3A_74 = tpu.memref_slice %arg21[%dma_start3A_73] : memref<800xf32, #tpu.memory_space<vmem>> -> memref<400xf32, #tpu.memory_space<vmem>>
      %dma_start3A_75 = arith.constant 400 : i32
      %dma_start3A_76 = tpu.memref_slice %arg15[%dma_start3A_75] : memref<800xi32, #tpu.memory_space<vmem>> -> memref<400xi32, #tpu.memory_space<vmem>>
      %dma_start3A_77 = arith.constant 0 : i32
      %dma_start3A_78 = tpu.memref_slice %arg9[%dma_start3A_77] : memref<100352xf32, #tpu.memory_space<vmem_shared>> -> memref<100352xf32, #tpu.memory_space<vmem_shared>>
      tpu.enqueue_indirect_dma source(%dma_start3A_78 : memref<100352xf32, #tpu.memory_space<vmem_shared>>) target(%dma_start3A_74 : memref<400xf32, #tpu.memory_space<vmem>>) offsets(%dma_start3A_76 : memref<400xi32, #tpu.memory_space<vmem>>) semaphore(%arg27 : memref<!tpu.dma_semaphore, #tpu.memory_space<semaphore_mem>>)
      %not3A = arith.constant true
      %not3A_79 = arith.xori %eq3A_50, %not3A : i1
      %convert_element_type3A_80 = arith.extui %not3A_79 : i1 to i32
      %cond3A_81 = arith.constant 0 : i32
      %cond3A_82 = arith.cmpi ne, %convert_element_type3A_80, %cond3A_81 : i32
      scf.if %cond3A_82 {
        %dma_wait3A_206 = arith.constant 0 : i32
        %dma_wait3A_207 = tpu.memref_slice %arg10[%dma_wait3A_206] : memref<100352xf32, #tpu.memory_space<vmem_shared>> -> memref<100352xf32, #tpu.memory_space<vmem_shared>>
        tpu.wait_indirect_dma semaphore(%arg30 : memref<!tpu.dma_semaphore, #tpu.memory_space<semaphore_mem>>) src(%arg24 : memref<800xf32, #tpu.memory_space<vmem>>) dst(%dma_wait3A_207 : memref<100352xf32, #tpu.memory_space<vmem_shared>>)
      } else {
      }
      %convert_element_type3A_83 = arith.extui %scan3A_35 : i1 to i32
      %cond3A_84 = arith.constant 0 : i32
      %cond3A_85 = arith.cmpi ne, %convert_element_type3A_83, %cond3A_84 : i32
      scf.if %cond3A_85 {
        %add3A_206 = arith.constant 800 : i32
        %add3A_207 = arith.addi %add3A_48, %add3A_206 : i32
        %dma_start3A_208 = tpu.memref_slice %arg2[%add3A_207] : memref<6400000xi32, #tpu.memory_space<hbm>> -> memref<800xi32, #tpu.memory_space<hbm>>
        %dma_start3A_209 = tpu.memref_slice %arg2[%add3A_207] : memref<6400000xi32, #tpu.memory_space<hbm>> -> memref<800xi32, #tpu.memory_space<hbm>>
        tpu.enqueue_dma source(%dma_start3A_209 : memref<800xi32, #tpu.memory_space<hbm>>) target(%arg14 : memref<800xi32, #tpu.memory_space<vmem>>) target_semaphore(%arg26 : memref<!tpu.dma_semaphore, #tpu.memory_space<semaphore_mem>>)
        %dma_start3A_210 = tpu.memref_slice %arg3[%add3A_207] : memref<6400000xi32, #tpu.memory_space<hbm>> -> memref<800xi32, #tpu.memory_space<hbm>>
        %dma_start3A_211 = tpu.memref_slice %arg3[%add3A_207] : memref<6400000xi32, #tpu.memory_space<hbm>> -> memref<800xi32, #tpu.memory_space<hbm>>
        tpu.enqueue_dma source(%dma_start3A_211 : memref<800xi32, #tpu.memory_space<hbm>>) target(%arg16 : memref<800xi32, #tpu.memory_space<vmem>>) target_semaphore(%arg26 : memref<!tpu.dma_semaphore, #tpu.memory_space<semaphore_mem>>)
        %dma_start3A_212 = tpu.memref_slice %arg7[%add3A_207] : memref<6400000xf32, #tpu.memory_space<hbm>> -> memref<800xf32, #tpu.memory_space<hbm>>
        %dma_start3A_213 = tpu.memref_slice %arg7[%add3A_207] : memref<6400000xf32, #tpu.memory_space<hbm>> -> memref<800xf32, #tpu.memory_space<hbm>>
        tpu.enqueue_dma source(%dma_start3A_213 : memref<800xf32, #tpu.memory_space<hbm>>) target(%arg18 : memref<800xf32, #tpu.memory_space<vmem>>) target_semaphore(%arg26 : memref<!tpu.dma_semaphore, #tpu.memory_space<semaphore_mem>>)
        %shift_right_arithmetic3A_214 = arith.constant 7 : i32
        %shift_right_arithmetic3A_215 = arith.shrsi %add3A_207, %shift_right_arithmetic3A_214 : i32
        %min3A_216 = arith.constant 49992 : i32
        %min3A_217 = arith.minsi %shift_right_arithmetic3A_215, %min3A_216 : i32
        %mul3A_218 = arith.constant 256 : i32
        %mul3A_219 = arith.muli %min3A_217, %mul3A_218 : i32
        %dma_start3A_220 = tpu.memref_slice %arg6[%mul3A_219] : memref<12800000xf32, #tpu.memory_space<hbm>> -> memref<2048xf32, #tpu.memory_space<hbm>>
        %dma_start3A_221 = tpu.memref_slice %arg6[%mul3A_219] : memref<12800000xf32, #tpu.memory_space<hbm>> -> memref<2048xf32, #tpu.memory_space<hbm>>
        tpu.enqueue_dma source(%dma_start3A_221 : memref<2048xf32, #tpu.memory_space<hbm>>) target(%arg20 : memref<2048xf32, #tpu.memory_space<vmem>>) target_semaphore(%arg26 : memref<!tpu.dma_semaphore, #tpu.memory_space<semaphore_mem>>)
      } else {
      }
      %dma_wait3A_86 = arith.constant 0 : i32
      %dma_wait3A_87 = tpu.memref_slice %arg21[%dma_wait3A_86] : memref<800xf32, #tpu.memory_space<vmem>> -> memref<400xf32, #tpu.memory_space<vmem>>
      %dma_wait3A_88 = arith.constant 0 : i32
      %dma_wait3A_89 = tpu.memref_slice %arg15[%dma_wait3A_88] : memref<800xi32, #tpu.memory_space<vmem>> -> memref<400xi32, #tpu.memory_space<vmem>>
      %dma_wait3A_90 = arith.constant 0 : i32
      %dma_wait3A_91 = tpu.memref_slice %arg9[%dma_wait3A_90] : memref<100352xf32, #tpu.memory_space<vmem_shared>> -> memref<100352xf32, #tpu.memory_space<vmem_shared>>
      tpu.wait_indirect_dma semaphore(%arg27 : memref<!tpu.dma_semaphore, #tpu.memory_space<semaphore_mem>>) src(%dma_wait3A_91 : memref<100352xf32, #tpu.memory_space<vmem_shared>>) dst(%dma_wait3A_87 : memref<400xf32, #tpu.memory_space<vmem>>)
      %shift_right_arithmetic3A_92 = arith.constant 7 : i32
      %shift_right_arithmetic3A_93 = arith.shrsi %add3A_48, %shift_right_arithmetic3A_92 : i32
      %min3A_94 = arith.constant 49992 : i32
      %min3A_95 = arith.minsi %shift_right_arithmetic3A_93, %min3A_94 : i32
      %mul3A_96 = arith.constant 128 : i32
      %mul3A_97 = arith.muli %min3A_95, %mul3A_96 : i32
      %sub3A = arith.subi %add3A_48, %mul3A_97 : i32
      %scan3A_98 = arith.constant 0 : i32
      %scan3A_99 = arith.constant 0 : i32
      %scan3A_100 = arith.constant 25 : i32
      %scan3A_101 = arith.addi %scan3A_99, %scan3A_100 : i32
      %scan3A_102 = arith.constant 1 : i32
      scf.for %scan3A_206 = %scan3A_99 to %scan3A_101 step %scan3A_102  : i32 {
        %mul3A_207 = arith.constant 16 : i32
        %mul3A_208 = arith.muli %scan3A_206, %mul3A_207 : i32
        %get3A = arith.index_cast %mul3A_208 : i32 to index
        %get3A_209 = tpu.vector_load %arg17[%get3A] {strides = array<i32>} : memref<800xf32, #tpu.memory_space<vmem>>, vector<16xf32>,
        %max3A = arith.constant 0.000000e+00 : f32
        %max3A_210 = vector.broadcast %max3A : f32 to vector<16xf32>
        %max3A_211 = arith.maximumf %get3A_209, %max3A_210 : vector<16xf32>
        %min3A_212 = arith.constant 1.000000e+00 : f32
        %min3A_213 = vector.broadcast %min3A_212 : f32 to vector<16xf32>
        %min3A_214 = arith.minimumf %max3A_211, %min3A_213 : vector<16xf32>
        %sub3A_215 = arith.constant 1.000000e+00 : f32
        %sub3A_216 = vector.broadcast %sub3A_215 : f32 to vector<16xf32>
        %sub3A_217 = arith.subf %sub3A_216, %min3A_214 : vector<16xf32>
        %mul3A_218 = arith.mulf %sub3A_217, %sub3A_217 : vector<16xf32>
        %mul3A_219 = arith.mulf %sub3A_217, %min3A_214 : vector<16xf32>
        %mul3A_220 = arith.mulf %mul3A_218, %mul3A_219 : vector<16xf32>
        %mul3A_221 = arith.constant -356507.063 : f32
        %mul3A_222 = vector.broadcast %mul3A_221 : f32 to vector<16xf32>
        %mul3A_223 = arith.mulf %mul3A_220, %mul3A_222 : vector<16xf32>
        %mul3A_224 = arith.constant 16 : i32
        %mul3A_225 = arith.muli %scan3A_206, %mul3A_224 : i32
        %add3A_226 = arith.addi %sub3A, %mul3A_225 : i32
        %add3A_227 = vector.broadcast %add3A_226 : i32 to vector<16xi32>
        %add3A_228 = arith.addi %add3A_227, %iota3A : vector<16xi32>
        %shift_right_arithmetic3A_229 = arith.constant 7 : i32
        %shift_right_arithmetic3A_230 = vector.broadcast %shift_right_arithmetic3A_229 : i32 to vector<16xi32>
        %shift_right_arithmetic3A_231 = arith.shrsi %add3A_228, %shift_right_arithmetic3A_230 : vector<16xi32>
        %shift_left3A = arith.constant 8 : i32
        %shift_left3A_232 = vector.broadcast %shift_left3A : i32 to vector<16xi32>
        %shift_left3A_233 = arith.shli %shift_right_arithmetic3A_231, %shift_left3A_232 : vector<16xi32>
        %and3A = arith.constant 127 : i32
        %and3A_234 = vector.broadcast %and3A : i32 to vector<16xi32>
        %and3A_235 = arith.andi %add3A_228, %and3A_234 : vector<16xi32>
        %add3A_236 = arith.addi %shift_left3A_233, %and3A_235 : vector<16xi32>
        %gather3A = tpu.vector_load_idx %arg19[%add3A_236] : memref<2048xf32, #tpu.memory_space<vmem>>[vector<16xi32>], vector<16xf32>,
        %add3A_237 = arith.constant 128 : i32
        %add3A_238 = vector.broadcast %add3A_237 : i32 to vector<16xi32>
        %add3A_239 = arith.addi %add3A_236, %add3A_238 : vector<16xi32>
        %gather3A_240 = tpu.vector_load_idx %arg19[%add3A_239] : memref<2048xf32, #tpu.memory_space<vmem>>[vector<16xi32>], vector<16xf32>,
        %get3A_241 = arith.index_cast %mul3A_208 : i32 to index
        %get3A_242 = tpu.vector_load %arg15[%get3A_241] {strides = array<i32>} : memref<800xi32, #tpu.memory_space<vmem>>, vector<16xi32>,
        %gather3A_243 = tpu.vector_load_idx %arg11[%get3A_242] : memref<100352xi32, #tpu.memory_space<vmem>>[vector<16xi32>], vector<16xi32>,
        %get3A_244 = arith.index_cast %mul3A_208 : i32 to index
        %get3A_245 = tpu.vector_load %arg13[%get3A_244] {strides = array<i32>} : memref<800xi32, #tpu.memory_space<vmem>>, vector<16xi32>,
        %gather3A_246 = tpu.vector_load_idx %arg11[%get3A_245] : memref<100352xi32, #tpu.memory_space<vmem>>[vector<16xi32>], vector<16xi32>,
        %shift_left3A_247 = arith.constant 16 : i32
        %shift_left3A_248 = vector.broadcast %shift_left3A_247 : i32 to vector<16xi32>
        %shift_left3A_249 = arith.shli %gather3A_243, %shift_left3A_248 : vector<16xi32>
        %bitcast3A = vector.bitcast %shift_left3A_249 : vector<16xi32> to vector<16xf32>
        %and3A_250 = arith.andi %gather3A_243, %broadcast_in_dim3A_1 : vector<16xi32>
        %bitcast3A_251 = vector.bitcast %and3A_250 : vector<16xi32> to vector<16xf32>
        %shift_left3A_252 = arith.constant 16 : i32
        %shift_left3A_253 = vector.broadcast %shift_left3A_252 : i32 to vector<16xi32>
        %shift_left3A_254 = arith.shli %gather3A_246, %shift_left3A_253 : vector<16xi32>
        %bitcast3A_255 = vector.bitcast %shift_left3A_254 : vector<16xi32> to vector<16xf32>
        %and3A_256 = arith.andi %gather3A_246, %broadcast_in_dim3A_1 : vector<16xi32>
        %bitcast3A_257 = vector.bitcast %and3A_256 : vector<16xi32> to vector<16xf32>
        %sub3A_258 = arith.subf %bitcast3A, %bitcast3A_255 : vector<16xf32>
        %mul3A_259 = arith.mulf %sub3A_258, %gather3A : vector<16xf32>
        %sub3A_260 = arith.subf %bitcast3A_251, %bitcast3A_257 : vector<16xf32>
        %mul3A_261 = arith.mulf %sub3A_260, %gather3A_240 : vector<16xf32>
        %add3A_262 = arith.addf %mul3A_259, %mul3A_261 : vector<16xf32>
        %mul3A_263 = arith.mulf %add3A_262, %mul3A_223 : vector<16xf32>
        %get3A_264 = arith.index_cast %mul3A_208 : i32 to index
        %get3A_265 = tpu.vector_load %arg21[%get3A_264] {strides = array<i32>} : memref<800xf32, #tpu.memory_space<vmem>>, vector<16xf32>,
        %mul3A_266 = arith.mulf %mul3A_263, %get3A_265 : vector<16xf32>
        %swap3A = arith.index_cast %mul3A_208 : i32 to index
        %swap3A_267 = tpu.vector_load %arg23[%swap3A] {strides = array<i32>} : memref<800xf32, #tpu.memory_space<vmem>>, vector<16xf32>,
        tpu.vector_store %arg23[%swap3A], %mul3A_266 {strides = array<i32>} : memref<800xf32, #tpu.memory_space<vmem>>, vector<16xf32>,
      }
      %scan3A_103 = arith.constant 25 : i32
      %dma_wait3A_104 = arith.constant 400 : i32
      %dma_wait3A_105 = tpu.memref_slice %arg21[%dma_wait3A_104] : memref<800xf32, #tpu.memory_space<vmem>> -> memref<400xf32, #tpu.memory_space<vmem>>
      %dma_wait3A_106 = arith.constant 400 : i32
      %dma_wait3A_107 = tpu.memref_slice %arg15[%dma_wait3A_106] : memref<800xi32, #tpu.memory_space<vmem>> -> memref<400xi32, #tpu.memory_space<vmem>>
      %dma_wait3A_108 = arith.constant 0 : i32
      %dma_wait3A_109 = tpu.memref_slice %arg9[%dma_wait3A_108] : memref<100352xf32, #tpu.memory_space<vmem_shared>> -> memref<100352xf32, #tpu.memory_space<vmem_shared>>
      tpu.wait_indirect_dma semaphore(%arg27 : memref<!tpu.dma_semaphore, #tpu.memory_space<semaphore_mem>>) src(%dma_wait3A_109 : memref<100352xf32, #tpu.memory_space<vmem_shared>>) dst(%dma_wait3A_105 : memref<400xf32, #tpu.memory_space<vmem>>)
      %shift_right_arithmetic3A_110 = arith.constant 7 : i32
      %shift_right_arithmetic3A_111 = arith.shrsi %add3A_48, %shift_right_arithmetic3A_110 : i32
      %min3A_112 = arith.constant 49992 : i32
      %min3A_113 = arith.minsi %shift_right_arithmetic3A_111, %min3A_112 : i32
      %mul3A_114 = arith.constant 128 : i32
      %mul3A_115 = arith.muli %min3A_113, %mul3A_114 : i32
      %sub3A_116 = arith.subi %add3A_48, %mul3A_115 : i32
      %scan3A_117 = arith.constant 0 : i32
      %scan3A_118 = arith.constant 25 : i32
      %scan3A_119 = arith.constant 25 : i32
      %scan3A_120 = arith.addi %scan3A_118, %scan3A_119 : i32
      %scan3A_121 = arith.constant 1 : i32
      scf.for %scan3A_206 = %scan3A_118 to %scan3A_120 step %scan3A_121  : i32 {
        %mul3A_207 = arith.constant 16 : i32
        %mul3A_208 = arith.muli %scan3A_206, %mul3A_207 : i32
        %get3A = arith.index_cast %mul3A_208 : i32 to index
        %get3A_209 = tpu.vector_load %arg17[%get3A] {strides = array<i32>} : memref<800xf32, #tpu.memory_space<vmem>>, vector<16xf32>,
        %max3A = arith.constant 0.000000e+00 : f32
        %max3A_210 = vector.broadcast %max3A : f32 to vector<16xf32>
        %max3A_211 = arith.maximumf %get3A_209, %max3A_210 : vector<16xf32>
        %min3A_212 = arith.constant 1.000000e+00 : f32
        %min3A_213 = vector.broadcast %min3A_212 : f32 to vector<16xf32>
        %min3A_214 = arith.minimumf %max3A_211, %min3A_213 : vector<16xf32>
        %sub3A_215 = arith.constant 1.000000e+00 : f32
        %sub3A_216 = vector.broadcast %sub3A_215 : f32 to vector<16xf32>
        %sub3A_217 = arith.subf %sub3A_216, %min3A_214 : vector<16xf32>
        %mul3A_218 = arith.mulf %sub3A_217, %sub3A_217 : vector<16xf32>
        %mul3A_219 = arith.mulf %sub3A_217, %min3A_214 : vector<16xf32>
        %mul3A_220 = arith.mulf %mul3A_218, %mul3A_219 : vector<16xf32>
        %mul3A_221 = arith.constant -356507.063 : f32
        %mul3A_222 = vector.broadcast %mul3A_221 : f32 to vector<16xf32>
        %mul3A_223 = arith.mulf %mul3A_220, %mul3A_222 : vector<16xf32>
        %mul3A_224 = arith.constant 16 : i32
        %mul3A_225 = arith.muli %scan3A_206, %mul3A_224 : i32
        %add3A_226 = arith.addi %sub3A_116, %mul3A_225 : i32
        %add3A_227 = vector.broadcast %add3A_226 : i32 to vector<16xi32>
        %add3A_228 = arith.addi %add3A_227, %iota3A : vector<16xi32>
        %shift_right_arithmetic3A_229 = arith.constant 7 : i32
        %shift_right_arithmetic3A_230 = vector.broadcast %shift_right_arithmetic3A_229 : i32 to vector<16xi32>
        %shift_right_arithmetic3A_231 = arith.shrsi %add3A_228, %shift_right_arithmetic3A_230 : vector<16xi32>
        %shift_left3A = arith.constant 8 : i32
        %shift_left3A_232 = vector.broadcast %shift_left3A : i32 to vector<16xi32>
        %shift_left3A_233 = arith.shli %shift_right_arithmetic3A_231, %shift_left3A_232 : vector<16xi32>
        %and3A = arith.constant 127 : i32
        %and3A_234 = vector.broadcast %and3A : i32 to vector<16xi32>
        %and3A_235 = arith.andi %add3A_228, %and3A_234 : vector<16xi32>
        %add3A_236 = arith.addi %shift_left3A_233, %and3A_235 : vector<16xi32>
        %gather3A = tpu.vector_load_idx %arg19[%add3A_236] : memref<2048xf32, #tpu.memory_space<vmem>>[vector<16xi32>], vector<16xf32>,
        %add3A_237 = arith.constant 128 : i32
        %add3A_238 = vector.broadcast %add3A_237 : i32 to vector<16xi32>
        %add3A_239 = arith.addi %add3A_236, %add3A_238 : vector<16xi32>
        %gather3A_240 = tpu.vector_load_idx %arg19[%add3A_239] : memref<2048xf32, #tpu.memory_space<vmem>>[vector<16xi32>], vector<16xf32>,
        %get3A_241 = arith.index_cast %mul3A_208 : i32 to index
        %get3A_242 = tpu.vector_load %arg15[%get3A_241] {strides = array<i32>} : memref<800xi32, #tpu.memory_space<vmem>>, vector<16xi32>,
        %gather3A_243 = tpu.vector_load_idx %arg11[%get3A_242] : memref<100352xi32, #tpu.memory_space<vmem>>[vector<16xi32>], vector<16xi32>,
        %get3A_244 = arith.index_cast %mul3A_208 : i32 to index
        %get3A_245 = tpu.vector_load %arg13[%get3A_244] {strides = array<i32>} : memref<800xi32, #tpu.memory_space<vmem>>, vector<16xi32>,
        %gather3A_246 = tpu.vector_load_idx %arg11[%get3A_245] : memref<100352xi32, #tpu.memory_space<vmem>>[vector<16xi32>], vector<16xi32>,
        %shift_left3A_247 = arith.constant 16 : i32
        %shift_left3A_248 = vector.broadcast %shift_left3A_247 : i32 to vector<16xi32>
        %shift_left3A_249 = arith.shli %gather3A_243, %shift_left3A_248 : vector<16xi32>
        %bitcast3A = vector.bitcast %shift_left3A_249 : vector<16xi32> to vector<16xf32>
        %and3A_250 = arith.andi %gather3A_243, %broadcast_in_dim3A_1 : vector<16xi32>
        %bitcast3A_251 = vector.bitcast %and3A_250 : vector<16xi32> to vector<16xf32>
        %shift_left3A_252 = arith.constant 16 : i32
        %shift_left3A_253 = vector.broadcast %shift_left3A_252 : i32 to vector<16xi32>
        %shift_left3A_254 = arith.shli %gather3A_246, %shift_left3A_253 : vector<16xi32>
        %bitcast3A_255 = vector.bitcast %shift_left3A_254 : vector<16xi32> to vector<16xf32>
        %and3A_256 = arith.andi %gather3A_246, %broadcast_in_dim3A_1 : vector<16xi32>
        %bitcast3A_257 = vector.bitcast %and3A_256 : vector<16xi32> to vector<16xf32>
        %sub3A_258 = arith.subf %bitcast3A, %bitcast3A_255 : vector<16xf32>
        %mul3A_259 = arith.mulf %sub3A_258, %gather3A : vector<16xf32>
        %sub3A_260 = arith.subf %bitcast3A_251, %bitcast3A_257 : vector<16xf32>
        %mul3A_261 = arith.mulf %sub3A_260, %gather3A_240 : vector<16xf32>
        %add3A_262 = arith.addf %mul3A_259, %mul3A_261 : vector<16xf32>
        %mul3A_263 = arith.mulf %add3A_262, %mul3A_223 : vector<16xf32>
        %get3A_264 = arith.index_cast %mul3A_208 : i32 to index
        %get3A_265 = tpu.vector_load %arg21[%get3A_264] {strides = array<i32>} : memref<800xf32, #tpu.memory_space<vmem>>, vector<16xf32>,
        %mul3A_266 = arith.mulf %mul3A_263, %get3A_265 : vector<16xf32>
        %swap3A = arith.index_cast %mul3A_208 : i32 to index
        %swap3A_267 = tpu.vector_load %arg23[%swap3A] {strides = array<i32>} : memref<800xf32, #tpu.memory_space<vmem>>, vector<16xf32>,
        tpu.vector_store %arg23[%swap3A], %mul3A_266 {strides = array<i32>} : memref<800xf32, #tpu.memory_space<vmem>>, vector<16xf32>,
      }
      %scan3A_122 = arith.constant 25 : i32
      %dma_start3A_123 = arith.constant 0 : i32
      %dma_start3A_124 = tpu.memref_slice %arg10[%dma_start3A_123] : memref<100352xf32, #tpu.memory_space<vmem_shared>> -> memref<100352xf32, #tpu.memory_space<vmem_shared>>
      tpu.enqueue_indirect_dma source(%arg23 : memref<800xf32, #tpu.memory_space<vmem>>) target(%dma_start3A_124 : memref<100352xf32, #tpu.memory_space<vmem_shared>>) offsets(%arg13 : memref<800xi32, #tpu.memory_space<vmem>>) semaphore(%arg29 : memref<!tpu.dma_semaphore, #tpu.memory_space<semaphore_mem>>) {add = true}
      %add3A_125 = arith.constant 800 : i32
      %add3A_126 = arith.addi %add3A_48, %add3A_125 : i32
      %lt3A_127 = arith.constant 124 : i32
      %lt3A_128 = arith.cmpi slt, %scan3A_43, %lt3A_127 : i32
      %dma_wait3A_129 = arith.constant 0 : i32
      %dma_wait3A_130 = tpu.memref_slice %arg2[%dma_wait3A_129] : memref<6400000xi32, #tpu.memory_space<hbm>> -> memref<800xi32, #tpu.memory_space<hbm>>
      %dma_wait3A_131 = arith.constant 0 : i32
      %dma_wait3A_132 = tpu.memref_slice %arg2[%dma_wait3A_131] : memref<6400000xi32, #tpu.memory_space<hbm>> -> memref<800xi32, #tpu.memory_space<hbm>>
      tpu.wait_dma2 semaphore(%arg26 : memref<!tpu.dma_semaphore, #tpu.memory_space<semaphore_mem>>) src(%dma_wait3A_132 : memref<800xi32, #tpu.memory_space<hbm>>) dst(%arg14 : memref<800xi32, #tpu.memory_space<vmem>>)
      %dma_wait3A_133 = arith.constant 0 : i32
      %dma_wait3A_134 = tpu.memref_slice %arg3[%dma_wait3A_133] : memref<6400000xi32, #tpu.memory_space<hbm>> -> memref<800xi32, #tpu.memory_space<hbm>>
      %dma_wait3A_135 = arith.constant 0 : i32
      %dma_wait3A_136 = tpu.memref_slice %arg3[%dma_wait3A_135] : memref<6400000xi32, #tpu.memory_space<hbm>> -> memref<800xi32, #tpu.memory_space<hbm>>
      tpu.wait_dma2 semaphore(%arg26 : memref<!tpu.dma_semaphore, #tpu.memory_space<semaphore_mem>>) src(%dma_wait3A_136 : memref<800xi32, #tpu.memory_space<hbm>>) dst(%arg16 : memref<800xi32, #tpu.memory_space<vmem>>)
      %dma_wait3A_137 = arith.constant 0 : i32
      %dma_wait3A_138 = tpu.memref_slice %arg7[%dma_wait3A_137] : memref<6400000xf32, #tpu.memory_space<hbm>> -> memref<800xf32, #tpu.memory_space<hbm>>
      %dma_wait3A_139 = arith.constant 0 : i32
      %dma_wait3A_140 = tpu.memref_slice %arg7[%dma_wait3A_139] : memref<6400000xf32, #tpu.memory_space<hbm>> -> memref<800xf32, #tpu.memory_space<hbm>>
      tpu.wait_dma2 semaphore(%arg26 : memref<!tpu.dma_semaphore, #tpu.memory_space<semaphore_mem>>) src(%dma_wait3A_140 : memref<800xf32, #tpu.memory_space<hbm>>) dst(%arg18 : memref<800xf32, #tpu.memory_space<vmem>>)
      %dma_wait3A_141 = arith.constant 0 : i32
      %dma_wait3A_142 = tpu.memref_slice %arg6[%dma_wait3A_141] : memref<12800000xf32, #tpu.memory_space<hbm>> -> memref<2048xf32, #tpu.memory_space<hbm>>
      %dma_wait3A_143 = arith.constant 0 : i32
      %dma_wait3A_144 = tpu.memref_slice %arg6[%dma_wait3A_143] : memref<12800000xf32, #tpu.memory_space<hbm>> -> memref<2048xf32, #tpu.memory_space<hbm>>
      tpu.wait_dma2 semaphore(%arg26 : memref<!tpu.dma_semaphore, #tpu.memory_space<semaphore_mem>>) src(%dma_wait3A_144 : memref<2048xf32, #tpu.memory_space<hbm>>) dst(%arg20 : memref<2048xf32, #tpu.memory_space<vmem>>)
      %dma_start3A_145 = arith.constant 0 : i32
      %dma_start3A_146 = tpu.memref_slice %arg22[%dma_start3A_145] : memref<800xf32, #tpu.memory_space<vmem>> -> memref<400xf32, #tpu.memory_space<vmem>>
      %dma_start3A_147 = arith.constant 0 : i32
      %dma_start3A_148 = tpu.memref_slice %arg16[%dma_start3A_147] : memref<800xi32, #tpu.memory_space<vmem>> -> memref<400xi32, #tpu.memory_space<vmem>>
      %dma_start3A_149 = arith.constant 0 : i32
      %dma_start3A_150 = tpu.memref_slice %arg9[%dma_start3A_149] : memref<100352xf32, #tpu.memory_space<vmem_shared>> -> memref<100352xf32, #tpu.memory_space<vmem_shared>>
      tpu.enqueue_indirect_dma source(%dma_start3A_150 : memref<100352xf32, #tpu.memory_space<vmem_shared>>) target(%dma_start3A_146 : memref<400xf32, #tpu.memory_space<vmem>>) offsets(%dma_start3A_148 : memref<400xi32, #tpu.memory_space<vmem>>) semaphore(%arg28 : memref<!tpu.dma_semaphore, #tpu.memory_space<semaphore_mem>>)
      %dma_start3A_151 = arith.constant 400 : i32
      %dma_start3A_152 = tpu.memref_slice %arg22[%dma_start3A_151] : memref<800xf32, #tpu.memory_space<vmem>> -> memref<400xf32, #tpu.memory_space<vmem>>
      %dma_start3A_153 = arith.constant 400 : i32
      %dma_start3A_154 = tpu.memref_slice %arg16[%dma_start3A_153] : memref<800xi32, #tpu.memory_space<vmem>> -> memref<400xi32, #tpu.memory_space<vmem>>
      %dma_start3A_155 = arith.constant 0 : i32
      %dma_start3A_156 = tpu.memref_slice %arg9[%dma_start3A_155] : memref<100352xf32, #tpu.memory_space<vmem_shared>> -> memref<100352xf32, #tpu.memory_space<vmem_shared>>
      tpu.enqueue_indirect_dma source(%dma_start3A_156 : memref<100352xf32, #tpu.memory_space<vmem_shared>>) target(%dma_start3A_152 : memref<400xf32, #tpu.memory_space<vmem>>) offsets(%dma_start3A_154 : memref<400xi32, #tpu.memory_space<vmem>>) semaphore(%arg28 : memref<!tpu.dma_semaphore, #tpu.memory_space<semaphore_mem>>)
      %not3A_157 = arith.constant false
      %not3A_158 = arith.constant true
      %not3A_159 = arith.xori %not3A_157, %not3A_158 : i1
      %convert_element_type3A_160 = arith.extui %not3A_159 : i1 to i32
      %cond3A_161 = arith.constant 0 : i32
      %cond3A_162 = arith.cmpi ne, %convert_element_type3A_160, %cond3A_161 : i32
      scf.if %cond3A_162 {
        %dma_wait3A_206 = arith.constant 0 : i32
        %dma_wait3A_207 = tpu.memref_slice %arg10[%dma_wait3A_206] : memref<100352xf32, #tpu.memory_space<vmem_shared>> -> memref<100352xf32, #tpu.memory_space<vmem_shared>>
        tpu.wait_indirect_dma semaphore(%arg29 : memref<!tpu.dma_semaphore, #tpu.memory_space<semaphore_mem>>) src(%arg23 : memref<800xf32, #tpu.memory_space<vmem>>) dst(%dma_wait3A_207 : memref<100352xf32, #tpu.memory_space<vmem_shared>>)
      } else {
      }
      %convert_element_type3A_163 = arith.extui %lt3A_128 : i1 to i32
      %cond3A_164 = arith.constant 0 : i32
      %cond3A_165 = arith.cmpi ne, %convert_element_type3A_163, %cond3A_164 : i32
      scf.if %cond3A_165 {
        %add3A_206 = arith.constant 800 : i32
        %add3A_207 = arith.addi %add3A_126, %add3A_206 : i32
        %dma_start3A_208 = tpu.memref_slice %arg2[%add3A_207] : memref<6400000xi32, #tpu.memory_space<hbm>> -> memref<800xi32, #tpu.memory_space<hbm>>
        %dma_start3A_209 = tpu.memref_slice %arg2[%add3A_207] : memref<6400000xi32, #tpu.memory_space<hbm>> -> memref<800xi32, #tpu.memory_space<hbm>>
        tpu.enqueue_dma source(%dma_start3A_209 : memref<800xi32, #tpu.memory_space<hbm>>) target(%arg13 : memref<800xi32, #tpu.memory_space<vmem>>) target_semaphore(%arg25 : memref<!tpu.dma_semaphore, #tpu.memory_space<semaphore_mem>>)
        %dma_start3A_210 = tpu.memref_slice %arg3[%add3A_207] : memref<6400000xi32, #tpu.memory_space<hbm>> -> memref<800xi32, #tpu.memory_space<hbm>>
        %dma_start3A_211 = tpu.memref_slice %arg3[%add3A_207] : memref<6400000xi32, #tpu.memory_space<hbm>> -> memref<800xi32, #tpu.memory_space<hbm>>
        tpu.enqueue_dma source(%dma_start3A_211 : memref<800xi32, #tpu.memory_space<hbm>>) target(%arg15 : memref<800xi32, #tpu.memory_space<vmem>>) target_semaphore(%arg25 : memref<!tpu.dma_semaphore, #tpu.memory_space<semaphore_mem>>)
        %dma_start3A_212 = tpu.memref_slice %arg7[%add3A_207] : memref<6400000xf32, #tpu.memory_space<hbm>> -> memref<800xf32, #tpu.memory_space<hbm>>
        %dma_start3A_213 = tpu.memref_slice %arg7[%add3A_207] : memref<6400000xf32, #tpu.memory_space<hbm>> -> memref<800xf32, #tpu.memory_space<hbm>>
        tpu.enqueue_dma source(%dma_start3A_213 : memref<800xf32, #tpu.memory_space<hbm>>) target(%arg17 : memref<800xf32, #tpu.memory_space<vmem>>) target_semaphore(%arg25 : memref<!tpu.dma_semaphore, #tpu.memory_space<semaphore_mem>>)
        %shift_right_arithmetic3A_214 = arith.constant 7 : i32
        %shift_right_arithmetic3A_215 = arith.shrsi %add3A_207, %shift_right_arithmetic3A_214 : i32
        %min3A_216 = arith.constant 49992 : i32
        %min3A_217 = arith.minsi %shift_right_arithmetic3A_215, %min3A_216 : i32
        %mul3A_218 = arith.constant 256 : i32
        %mul3A_219 = arith.muli %min3A_217, %mul3A_218 : i32
        %dma_start3A_220 = tpu.memref_slice %arg6[%mul3A_219] : memref<12800000xf32, #tpu.memory_space<hbm>> -> memref<2048xf32, #tpu.memory_space<hbm>>
        %dma_start3A_221 = tpu.memref_slice %arg6[%mul3A_219] : memref<12800000xf32, #tpu.memory_space<hbm>> -> memref<2048xf32, #tpu.memory_space<hbm>>
        tpu.enqueue_dma source(%dma_start3A_221 : memref<2048xf32, #tpu.memory_space<hbm>>) target(%arg19 : memref<2048xf32, #tpu.memory_space<vmem>>) target_semaphore(%arg25 : memref<!tpu.dma_semaphore, #tpu.memory_space<semaphore_mem>>)
      } else {
      }
      %dma_wait3A_166 = arith.constant 0 : i32
      %dma_wait3A_167 = tpu.memref_slice %arg22[%dma_wait3A_166] : memref<800xf32, #tpu.memory_space<vmem>> -> memref<400xf32, #tpu.memory_space<vmem>>
      %dma_wait3A_168 = arith.constant 0 : i32
      %dma_wait3A_169 = tpu.memref_slice %arg16[%dma_wait3A_168] : memref<800xi32, #tpu.memory_space<vmem>> -> memref<400xi32, #tpu.memory_space<vmem>>
      %dma_wait3A_170 = arith.constant 0 : i32
      %dma_wait3A_171 = tpu.memref_slice %arg9[%dma_wait3A_170] : memref<100352xf32, #tpu.memory_space<vmem_shared>> -> memref<100352xf32, #tpu.memory_space<vmem_shared>>
      tpu.wait_indirect_dma semaphore(%arg28 : memref<!tpu.dma_semaphore, #tpu.memory_space<semaphore_mem>>) src(%dma_wait3A_171 : memref<100352xf32, #tpu.memory_space<vmem_shared>>) dst(%dma_wait3A_167 : memref<400xf32, #tpu.memory_space<vmem>>)
      %shift_right_arithmetic3A_172 = arith.constant 7 : i32
      %shift_right_arithmetic3A_173 = arith.shrsi %add3A_126, %shift_right_arithmetic3A_172 : i32
      %min3A_174 = arith.constant 49992 : i32
      %min3A_175 = arith.minsi %shift_right_arithmetic3A_173, %min3A_174 : i32
      %mul3A_176 = arith.constant 128 : i32
      %mul3A_177 = arith.muli %min3A_175, %mul3A_176 : i32
      %sub3A_178 = arith.subi %add3A_126, %mul3A_177 : i32
      %scan3A_179 = arith.constant 0 : i32
      %scan3A_180 = arith.constant 0 : i32
      %scan3A_181 = arith.constant 25 : i32
      %scan3A_182 = arith.addi %scan3A_180, %scan3A_181 : i32
      %scan3A_183 = arith.constant 1 : i32
      scf.for %scan3A_206 = %scan3A_180 to %scan3A_182 step %scan3A_183  : i32 {
        %mul3A_207 = arith.constant 16 : i32
        %mul3A_208 = arith.muli %scan3A_206, %mul3A_207 : i32
        %get3A = arith.index_cast %mul3A_208 : i32 to index
        %get3A_209 = tpu.vector_load %arg18[%get3A] {strides = array<i32>} : memref<800xf32, #tpu.memory_space<vmem>>, vector<16xf32>,
        %max3A = arith.constant 0.000000e+00 : f32
        %max3A_210 = vector.broadcast %max3A : f32 to vector<16xf32>
        %max3A_211 = arith.maximumf %get3A_209, %max3A_210 : vector<16xf32>
        %min3A_212 = arith.constant 1.000000e+00 : f32
        %min3A_213 = vector.broadcast %min3A_212 : f32 to vector<16xf32>
        %min3A_214 = arith.minimumf %max3A_211, %min3A_213 : vector<16xf32>
        %sub3A_215 = arith.constant 1.000000e+00 : f32
        %sub3A_216 = vector.broadcast %sub3A_215 : f32 to vector<16xf32>
        %sub3A_217 = arith.subf %sub3A_216, %min3A_214 : vector<16xf32>
        %mul3A_218 = arith.mulf %sub3A_217, %sub3A_217 : vector<16xf32>
        %mul3A_219 = arith.mulf %sub3A_217, %min3A_214 : vector<16xf32>
        %mul3A_220 = arith.mulf %mul3A_218, %mul3A_219 : vector<16xf32>
        %mul3A_221 = arith.constant -356507.063 : f32
        %mul3A_222 = vector.broadcast %mul3A_221 : f32 to vector<16xf32>
        %mul3A_223 = arith.mulf %mul3A_220, %mul3A_222 : vector<16xf32>
        %mul3A_224 = arith.constant 16 : i32
        %mul3A_225 = arith.muli %scan3A_206, %mul3A_224 : i32
        %add3A_226 = arith.addi %sub3A_178, %mul3A_225 : i32
        %add3A_227 = vector.broadcast %add3A_226 : i32 to vector<16xi32>
        %add3A_228 = arith.addi %add3A_227, %iota3A : vector<16xi32>
        %shift_right_arithmetic3A_229 = arith.constant 7 : i32
        %shift_right_arithmetic3A_230 = vector.broadcast %shift_right_arithmetic3A_229 : i32 to vector<16xi32>
        %shift_right_arithmetic3A_231 = arith.shrsi %add3A_228, %shift_right_arithmetic3A_230 : vector<16xi32>
        %shift_left3A = arith.constant 8 : i32
        %shift_left3A_232 = vector.broadcast %shift_left3A : i32 to vector<16xi32>
        %shift_left3A_233 = arith.shli %shift_right_arithmetic3A_231, %shift_left3A_232 : vector<16xi32>
        %and3A = arith.constant 127 : i32
        %and3A_234 = vector.broadcast %and3A : i32 to vector<16xi32>
        %and3A_235 = arith.andi %add3A_228, %and3A_234 : vector<16xi32>
        %add3A_236 = arith.addi %shift_left3A_233, %and3A_235 : vector<16xi32>
        %gather3A = tpu.vector_load_idx %arg20[%add3A_236] : memref<2048xf32, #tpu.memory_space<vmem>>[vector<16xi32>], vector<16xf32>,
        %add3A_237 = arith.constant 128 : i32
        %add3A_238 = vector.broadcast %add3A_237 : i32 to vector<16xi32>
        %add3A_239 = arith.addi %add3A_236, %add3A_238 : vector<16xi32>
        %gather3A_240 = tpu.vector_load_idx %arg20[%add3A_239] : memref<2048xf32, #tpu.memory_space<vmem>>[vector<16xi32>], vector<16xf32>,
        %get3A_241 = arith.index_cast %mul3A_208 : i32 to index
        %get3A_242 = tpu.vector_load %arg16[%get3A_241] {strides = array<i32>} : memref<800xi32, #tpu.memory_space<vmem>>, vector<16xi32>,
        %gather3A_243 = tpu.vector_load_idx %arg11[%get3A_242] : memref<100352xi32, #tpu.memory_space<vmem>>[vector<16xi32>], vector<16xi32>,
        %get3A_244 = arith.index_cast %mul3A_208 : i32 to index
        %get3A_245 = tpu.vector_load %arg14[%get3A_244] {strides = array<i32>} : memref<800xi32, #tpu.memory_space<vmem>>, vector<16xi32>,
        %gather3A_246 = tpu.vector_load_idx %arg11[%get3A_245] : memref<100352xi32, #tpu.memory_space<vmem>>[vector<16xi32>], vector<16xi32>,
        %shift_left3A_247 = arith.constant 16 : i32
        %shift_left3A_248 = vector.broadcast %shift_left3A_247 : i32 to vector<16xi32>
        %shift_left3A_249 = arith.shli %gather3A_243, %shift_left3A_248 : vector<16xi32>
        %bitcast3A = vector.bitcast %shift_left3A_249 : vector<16xi32> to vector<16xf32>
        %and3A_250 = arith.andi %gather3A_243, %broadcast_in_dim3A_1 : vector<16xi32>
        %bitcast3A_251 = vector.bitcast %and3A_250 : vector<16xi32> to vector<16xf32>
        %shift_left3A_252 = arith.constant 16 : i32
        %shift_left3A_253 = vector.broadcast %shift_left3A_252 : i32 to vector<16xi32>
        %shift_left3A_254 = arith.shli %gather3A_246, %shift_left3A_253 : vector<16xi32>
        %bitcast3A_255 = vector.bitcast %shift_left3A_254 : vector<16xi32> to vector<16xf32>
        %and3A_256 = arith.andi %gather3A_246, %broadcast_in_dim3A_1 : vector<16xi32>
        %bitcast3A_257 = vector.bitcast %and3A_256 : vector<16xi32> to vector<16xf32>
        %sub3A_258 = arith.subf %bitcast3A, %bitcast3A_255 : vector<16xf32>
        %mul3A_259 = arith.mulf %sub3A_258, %gather3A : vector<16xf32>
        %sub3A_260 = arith.subf %bitcast3A_251, %bitcast3A_257 : vector<16xf32>
        %mul3A_261 = arith.mulf %sub3A_260, %gather3A_240 : vector<16xf32>
        %add3A_262 = arith.addf %mul3A_259, %mul3A_261 : vector<16xf32>
        %mul3A_263 = arith.mulf %add3A_262, %mul3A_223 : vector<16xf32>
        %get3A_264 = arith.index_cast %mul3A_208 : i32 to index
        %get3A_265 = tpu.vector_load %arg22[%get3A_264] {strides = array<i32>} : memref<800xf32, #tpu.memory_space<vmem>>, vector<16xf32>,
        %mul3A_266 = arith.mulf %mul3A_263, %get3A_265 : vector<16xf32>
        %swap3A = arith.index_cast %mul3A_208 : i32 to index
        %swap3A_267 = tpu.vector_load %arg24[%swap3A] {strides = array<i32>} : memref<800xf32, #tpu.memory_space<vmem>>, vector<16xf32>,
        tpu.vector_store %arg24[%swap3A], %mul3A_266 {strides = array<i32>} : memref<800xf32, #tpu.memory_space<vmem>>, vector<16xf32>,
      }
      %scan3A_184 = arith.constant 25 : i32
      %dma_wait3A_185 = arith.constant 400 : i32
      %dma_wait3A_186 = tpu.memref_slice %arg22[%dma_wait3A_185] : memref<800xf32, #tpu.memory_space<vmem>> -> memref<400xf32, #tpu.memory_space<vmem>>
      %dma_wait3A_187 = arith.constant 400 : i32
      %dma_wait3A_188 = tpu.memref_slice %arg16[%dma_wait3A_187] : memref<800xi32, #tpu.memory_space<vmem>> -> memref<400xi32, #tpu.memory_space<vmem>>
      %dma_wait3A_189 = arith.constant 0 : i32
      %dma_wait3A_190 = tpu.memref_slice %arg9[%dma_wait3A_189] : memref<100352xf32, #tpu.memory_space<vmem_shared>> -> memref<100352xf32, #tpu.memory_space<vmem_shared>>
      tpu.wait_indirect_dma semaphore(%arg28 : memref<!tpu.dma_semaphore, #tpu.memory_space<semaphore_mem>>) src(%dma_wait3A_190 : memref<100352xf32, #tpu.memory_space<vmem_shared>>) dst(%dma_wait3A_186 : memref<400xf32, #tpu.memory_space<vmem>>)
      %shift_right_arithmetic3A_191 = arith.constant 7 : i32
      %shift_right_arithmetic3A_192 = arith.shrsi %add3A_126, %shift_right_arithmetic3A_191 : i32
      %min3A_193 = arith.constant 49992 : i32
      %min3A_194 = arith.minsi %shift_right_arithmetic3A_192, %min3A_193 : i32
      %mul3A_195 = arith.constant 128 : i32
      %mul3A_196 = arith.muli %min3A_194, %mul3A_195 : i32
      %sub3A_197 = arith.subi %add3A_126, %mul3A_196 : i32
      %scan3A_198 = arith.constant 0 : i32
      %scan3A_199 = arith.constant 25 : i32
      %scan3A_200 = arith.constant 25 : i32
      %scan3A_201 = arith.addi %scan3A_199, %scan3A_200 : i32
      %scan3A_202 = arith.constant 1 : i32
      scf.for %scan3A_206 = %scan3A_199 to %scan3A_201 step %scan3A_202  : i32 {
        %mul3A_207 = arith.constant 16 : i32
        %mul3A_208 = arith.muli %scan3A_206, %mul3A_207 : i32
        %get3A = arith.index_cast %mul3A_208 : i32 to index
        %get3A_209 = tpu.vector_load %arg18[%get3A] {strides = array<i32>} : memref<800xf32, #tpu.memory_space<vmem>>, vector<16xf32>,
        %max3A = arith.constant 0.000000e+00 : f32
        %max3A_210 = vector.broadcast %max3A : f32 to vector<16xf32>
        %max3A_211 = arith.maximumf %get3A_209, %max3A_210 : vector<16xf32>
        %min3A_212 = arith.constant 1.000000e+00 : f32
        %min3A_213 = vector.broadcast %min3A_212 : f32 to vector<16xf32>
        %min3A_214 = arith.minimumf %max3A_211, %min3A_213 : vector<16xf32>
        %sub3A_215 = arith.constant 1.000000e+00 : f32
        %sub3A_216 = vector.broadcast %sub3A_215 : f32 to vector<16xf32>
        %sub3A_217 = arith.subf %sub3A_216, %min3A_214 : vector<16xf32>
        %mul3A_218 = arith.mulf %sub3A_217, %sub3A_217 : vector<16xf32>
        %mul3A_219 = arith.mulf %sub3A_217, %min3A_214 : vector<16xf32>
        %mul3A_220 = arith.mulf %mul3A_218, %mul3A_219 : vector<16xf32>
        %mul3A_221 = arith.constant -356507.063 : f32
        %mul3A_222 = vector.broadcast %mul3A_221 : f32 to vector<16xf32>
        %mul3A_223 = arith.mulf %mul3A_220, %mul3A_222 : vector<16xf32>
        %mul3A_224 = arith.constant 16 : i32
        %mul3A_225 = arith.muli %scan3A_206, %mul3A_224 : i32
        %add3A_226 = arith.addi %sub3A_197, %mul3A_225 : i32
        %add3A_227 = vector.broadcast %add3A_226 : i32 to vector<16xi32>
        %add3A_228 = arith.addi %add3A_227, %iota3A : vector<16xi32>
        %shift_right_arithmetic3A_229 = arith.constant 7 : i32
        %shift_right_arithmetic3A_230 = vector.broadcast %shift_right_arithmetic3A_229 : i32 to vector<16xi32>
        %shift_right_arithmetic3A_231 = arith.shrsi %add3A_228, %shift_right_arithmetic3A_230 : vector<16xi32>
        %shift_left3A = arith.constant 8 : i32
        %shift_left3A_232 = vector.broadcast %shift_left3A : i32 to vector<16xi32>
        %shift_left3A_233 = arith.shli %shift_right_arithmetic3A_231, %shift_left3A_232 : vector<16xi32>
        %and3A = arith.constant 127 : i32
        %and3A_234 = vector.broadcast %and3A : i32 to vector<16xi32>
        %and3A_235 = arith.andi %add3A_228, %and3A_234 : vector<16xi32>
        %add3A_236 = arith.addi %shift_left3A_233, %and3A_235 : vector<16xi32>
        %gather3A = tpu.vector_load_idx %arg20[%add3A_236] : memref<2048xf32, #tpu.memory_space<vmem>>[vector<16xi32>], vector<16xf32>,
        %add3A_237 = arith.constant 128 : i32
        %add3A_238 = vector.broadcast %add3A_237 : i32 to vector<16xi32>
        %add3A_239 = arith.addi %add3A_236, %add3A_238 : vector<16xi32>
        %gather3A_240 = tpu.vector_load_idx %arg20[%add3A_239] : memref<2048xf32, #tpu.memory_space<vmem>>[vector<16xi32>], vector<16xf32>,
        %get3A_241 = arith.index_cast %mul3A_208 : i32 to index
        %get3A_242 = tpu.vector_load %arg16[%get3A_241] {strides = array<i32>} : memref<800xi32, #tpu.memory_space<vmem>>, vector<16xi32>,
        %gather3A_243 = tpu.vector_load_idx %arg11[%get3A_242] : memref<100352xi32, #tpu.memory_space<vmem>>[vector<16xi32>], vector<16xi32>,
        %get3A_244 = arith.index_cast %mul3A_208 : i32 to index
        %get3A_245 = tpu.vector_load %arg14[%get3A_244] {strides = array<i32>} : memref<800xi32, #tpu.memory_space<vmem>>, vector<16xi32>,
        %gather3A_246 = tpu.vector_load_idx %arg11[%get3A_245] : memref<100352xi32, #tpu.memory_space<vmem>>[vector<16xi32>], vector<16xi32>,
        %shift_left3A_247 = arith.constant 16 : i32
        %shift_left3A_248 = vector.broadcast %shift_left3A_247 : i32 to vector<16xi32>
        %shift_left3A_249 = arith.shli %gather3A_243, %shift_left3A_248 : vector<16xi32>
        %bitcast3A = vector.bitcast %shift_left3A_249 : vector<16xi32> to vector<16xf32>
        %and3A_250 = arith.andi %gather3A_243, %broadcast_in_dim3A_1 : vector<16xi32>
        %bitcast3A_251 = vector.bitcast %and3A_250 : vector<16xi32> to vector<16xf32>
        %shift_left3A_252 = arith.constant 16 : i32
        %shift_left3A_253 = vector.broadcast %shift_left3A_252 : i32 to vector<16xi32>
        %shift_left3A_254 = arith.shli %gather3A_246, %shift_left3A_253 : vector<16xi32>
        %bitcast3A_255 = vector.bitcast %shift_left3A_254 : vector<16xi32> to vector<16xf32>
        %and3A_256 = arith.andi %gather3A_246, %broadcast_in_dim3A_1 : vector<16xi32>
        %bitcast3A_257 = vector.bitcast %and3A_256 : vector<16xi32> to vector<16xf32>
        %sub3A_258 = arith.subf %bitcast3A, %bitcast3A_255 : vector<16xf32>
        %mul3A_259 = arith.mulf %sub3A_258, %gather3A : vector<16xf32>
        %sub3A_260 = arith.subf %bitcast3A_251, %bitcast3A_257 : vector<16xf32>
        %mul3A_261 = arith.mulf %sub3A_260, %gather3A_240 : vector<16xf32>
        %add3A_262 = arith.addf %mul3A_259, %mul3A_261 : vector<16xf32>
        %mul3A_263 = arith.mulf %add3A_262, %mul3A_223 : vector<16xf32>
        %get3A_264 = arith.index_cast %mul3A_208 : i32 to index
        %get3A_265 = tpu.vector_load %arg22[%get3A_264] {strides = array<i32>} : memref<800xf32, #tpu.memory_space<vmem>>, vector<16xf32>,
        %mul3A_266 = arith.mulf %mul3A_263, %get3A_265 : vector<16xf32>
        %swap3A = arith.index_cast %mul3A_208 : i32 to index
        %swap3A_267 = tpu.vector_load %arg24[%swap3A] {strides = array<i32>} : memref<800xf32, #tpu.memory_space<vmem>>, vector<16xf32>,
        tpu.vector_store %arg24[%swap3A], %mul3A_266 {strides = array<i32>} : memref<800xf32, #tpu.memory_space<vmem>>, vector<16xf32>,
      }
      %scan3A_203 = arith.constant 25 : i32
      %dma_start3A_204 = arith.constant 0 : i32
      %dma_start3A_205 = tpu.memref_slice %arg10[%dma_start3A_204] : memref<100352xf32, #tpu.memory_space<vmem_shared>> -> memref<100352xf32, #tpu.memory_space<vmem_shared>>
      tpu.enqueue_indirect_dma source(%arg24 : memref<800xf32, #tpu.memory_space<vmem>>) target(%dma_start3A_205 : memref<100352xf32, #tpu.memory_space<vmem_shared>>) offsets(%arg14 : memref<800xi32, #tpu.memory_space<vmem>>) semaphore(%arg30 : memref<!tpu.dma_semaphore, #tpu.memory_space<semaphore_mem>>) {add = true}
    }
    %scan3A_40 = arith.constant 125 : i32
    %dma_wait3A = arith.constant 0 : i32
    %dma_wait3A_41 = tpu.memref_slice %arg10[%dma_wait3A] : memref<100352xf32, #tpu.memory_space<vmem_shared>> -> memref<100352xf32, #tpu.memory_space<vmem_shared>>
    tpu.wait_indirect_dma semaphore(%arg30 : memref<!tpu.dma_semaphore, #tpu.memory_space<semaphore_mem>>) src(%arg24 : memref<800xf32, #tpu.memory_space<vmem>>) dst(%dma_wait3A_41 : memref<100352xf32, #tpu.memory_space<vmem_shared>>)
    %barrier3A_42 = arith.constant 0 : index
    tpu.barrier barrier_id(%barrier3A_42)
    "tpu.region"() ({
      %run_scoped3A = tpu.sem_alloc : memref<!tpu.dma_semaphore, #tpu.memory_space<semaphore_mem>>
      %dma_start3A_43 = tpu.memref_slice %arg8[%arg0, %mul3A_3] : memref<2x100352xf32, #tpu.memory_space<hbm>> -> memref<1x6272xf32, #tpu.memory_space<hbm>>
      %dma_start3A_44 = tpu.memref_squeeze %dma_start3A_43 : memref<1x6272xf32, #tpu.memory_space<hbm>> -> memref<6272xf32, #tpu.memory_space<hbm>>
      %dma_start3A_45 = tpu.memref_slice %arg10[%mul3A_3] : memref<100352xf32, #tpu.memory_space<vmem_shared>> -> memref<6272xf32, #tpu.memory_space<vmem_shared>>
      tpu.enqueue_dma source(%dma_start3A_45 : memref<6272xf32, #tpu.memory_space<vmem_shared>>) target(%dma_start3A_44 : memref<6272xf32, #tpu.memory_space<hbm>>) target_semaphore(%run_scoped3A : memref<!tpu.dma_semaphore, #tpu.memory_space<semaphore_mem>>)
      %dma_wait3A_46 = tpu.memref_slice %arg8[%arg0, %mul3A_3] : memref<2x100352xf32, #tpu.memory_space<hbm>> -> memref<1x6272xf32, #tpu.memory_space<hbm>>
      %dma_wait3A_47 = tpu.memref_squeeze %dma_wait3A_46 : memref<1x6272xf32, #tpu.memory_space<hbm>> -> memref<6272xf32, #tpu.memory_space<hbm>>
      %dma_wait3A_48 = tpu.memref_slice %arg10[%mul3A_3] : memref<100352xf32, #tpu.memory_space<vmem_shared>> -> memref<6272xf32, #tpu.memory_space<vmem_shared>>
      tpu.wait_dma2 semaphore(%run_scoped3A : memref<!tpu.dma_semaphore, #tpu.memory_space<semaphore_mem>>) src(%dma_wait3A_48 : memref<6272xf32, #tpu.memory_space<vmem_shared>>) dst(%dma_wait3A_47 : memref<6272xf32, #tpu.memory_space<hbm>>)
      tpu.yield
    }) : () -> ()
    return
  }
}

module attributes {stable_mosaic.version = 14 : i64} {
  func.func @_prep_body(%arg0: memref<784x2x128xf32, #tpu.memory_space<vmem>>, %arg1: memref<100000xf32, #tpu.memory_space<vmem>>, %arg2: memref<100000xf32, #tpu.memory_space<vmem>>, %arg3: memref<784x128xi32, #tpu.memory_space<vmem>>, %arg4: memref<100000xf32, #tpu.memory_space<vmem>>) attributes {dimension_semantics = [], scalar_prefetch = 0 : i64, scratch_operands = 0 : i64, tpu.core_type = #tpu.core_type<tc>} {
    %get3A = arith.constant 0 : index
    %get3A_0 = arith.constant 0 : index
    %get3A_1 = arith.constant 0 : index
    %get3A_2 = vector.load %arg0[%get3A, %get3A_0, %get3A_1] : memref<784x2x128xf32, #tpu.memory_space<vmem>>, vector<784x1x128xf32>
    %get3A_3 = vector.shape_cast %get3A_2 : vector<784x1x128xf32> to vector<784x128xf32>
    %bitcast_convert_type3A = tpu.bitcast %get3A_3 : vector<784x128xf32> -> vector<784x128xi32>
    %get3A_4 = arith.constant 0 : index
    %get3A_5 = arith.constant 1 : index
    %get3A_6 = arith.constant 0 : index
    %get3A_7 = vector.load %arg0[%get3A_4, %get3A_5, %get3A_6] : memref<784x2x128xf32, #tpu.memory_space<vmem>>, vector<784x1x128xf32>
    %get3A_8 = vector.shape_cast %get3A_7 : vector<784x1x128xf32> to vector<784x128xf32>
    %bitcast_convert_type3A_9 = tpu.bitcast %get3A_8 : vector<784x128xf32> -> vector<784x128xi32>
    %add3A = arith.constant 32768 : i32
    %add3A_10 = vector.broadcast %add3A : i32 to vector<784x128xi32>
    %add3A_11 = arith.addi %bitcast_convert_type3A, %add3A_10 : vector<784x128xi32>
    %shift_right_logical3A = arith.constant 16 : i32
    %shift_right_logical3A_12 = vector.broadcast %shift_right_logical3A : i32 to vector<784x128xi32>
    %shift_right_logical3A_13 = arith.shrui %add3A_11, %shift_right_logical3A_12 : vector<784x128xi32>
    %add3A_14 = arith.constant 32768 : i32
    %add3A_15 = vector.broadcast %add3A_14 : i32 to vector<784x128xi32>
    %add3A_16 = arith.addi %bitcast_convert_type3A_9, %add3A_15 : vector<784x128xi32>
    %and3A = arith.constant -65536 : i32
    %and3A_17 = vector.broadcast %and3A : i32 to vector<784x128xi32>
    %and3A_18 = arith.andi %add3A_16, %and3A_17 : vector<784x128xi32>
    %or3A = arith.ori %shift_right_logical3A_13, %and3A_18 : vector<784x128xi32>
    %swap3A = arith.constant 0 : index
    %swap3A_19 = arith.constant 0 : index
    %swap3A_20 = vector.load %arg3[%swap3A, %swap3A_19] : memref<784x128xi32, #tpu.memory_space<vmem>>, vector<784x128xi32>
    tpu.vector_store %arg3[%swap3A, %swap3A_19], %or3A {strides = array<i32>} : memref<784x128xi32, #tpu.memory_space<vmem>>, vector<784x128xi32>,
    %get3A_21 = arith.constant 0 : index
    %get3A_22 = vector.load %arg1[%get3A_21] : memref<100000xf32, #tpu.memory_space<vmem>>, vector<100000xf32>
    %get3A_23 = arith.constant 0 : index
    %get3A_24 = vector.load %arg2[%get3A_23] : memref<100000xf32, #tpu.memory_space<vmem>>, vector<100000xf32>
    %mul3A = arith.mulf %get3A_22, %get3A_24 : vector<100000xf32>
    %swap3A_25 = arith.constant 0 : index
    %swap3A_26 = vector.load %arg4[%swap3A_25] : memref<100000xf32, #tpu.memory_space<vmem>>, vector<100000xf32>
    tpu.vector_store %arg4[%swap3A_25], %mul3A {strides = array<i32>} : memref<100000xf32, #tpu.memory_space<vmem>>, vector<100000xf32>,
    return
  }
}

module attributes {stable_mosaic.version = 14 : i64} {
  func.func @_combine_body(%arg0: memref<2x100352xf32, #tpu.memory_space<vmem>>, %arg1: memref<100000xf32, #tpu.memory_space<vmem>>) attributes {dimension_semantics = [], scalar_prefetch = 0 : i64, scratch_operands = 0 : i64, tpu.core_type = #tpu.core_type<tc>} {
    %get3A = arith.constant 0 : index
    %get3A_0 = arith.constant 0 : index
    %get3A_1 = vector.load %arg0[%get3A, %get3A_0] : memref<2x100352xf32, #tpu.memory_space<vmem>>, vector<1x100000xf32>
    %get3A_2 = vector.shape_cast %get3A_1 : vector<1x100000xf32> to vector<100000xf32>
    %get3A_3 = arith.constant 1 : index
    %get3A_4 = arith.constant 0 : index
    %get3A_5 = vector.load %arg0[%get3A_3, %get3A_4] : memref<2x100352xf32, #tpu.memory_space<vmem>>, vector<1x100000xf32>
    %get3A_6 = vector.shape_cast %get3A_5 : vector<1x100000xf32> to vector<100000xf32>
    %add3A = arith.addf %get3A_2, %get3A_6 : vector<100000xf32>
    %neg3A = arith.constant 0.000000e+00 : f32
    %neg3A_7 = vector.broadcast %neg3A : f32 to vector<100000xf32>
    %neg3A_8 = arith.subf %neg3A_7, %add3A : vector<100000xf32>
    %swap3A = arith.constant 0 : index
    %swap3A_9 = vector.load %arg1[%swap3A] : memref<100000xf32, #tpu.memory_space<vmem>>, vector<100000xf32>
    tpu.vector_store %arg1[%swap3A], %neg3A_8 {strides = array<i32>} : memref<100000xf32, #tpu.memory_space<vmem>>, vector<100000xf32>,
    return
  }
}

</mosaic_0001>

<sc_bundles>
// kernel: kernel.5.cloned.1.call-start
scs
__scs_entry_jumppad:
0x0: {  	(pc) =	sbr.rel $0x88, $3  }
0x1: {  	(tag) =	ssettag $0x0;
	lr =	simm.s32 $0x1  }
0x2: {  	[smem:$0x3F9A] =	sst lr;
	_ =	strace $0xD0000000  }
0x3: {  	_ = 	snop  }
0x4: {  	_ = 	snop  }
0x5: {  	_ = 	snop  }
0x6: {  	_ = 	snop  }
0x7: {  	_ = 	snop  }
__scs_overlays_trampoline_lowered:
0x8: {  	[smem:$0x3FA9] =	sst s0  }
0x9: {  	[smem:$0x3FAA] =	sst s1  }
0xa: {  	[smem:$0x3FAB] =	sst s2  }
0xb: {  	[smem:$0x3FAC] =	sst s3  }
0xc: {  	[smem:$0x3FAD] =	sst s4  }
0xd: {  	[smem:$0x3FAE] =	sst s5  }
0xe: {  	[smem:$0x3FAF] =	sst s6  }
0xf: {  	[smem:$0x3FB0] =	sst s7  }
0x10: {  	[smem:$0x3FB1] =	sst s8  }
0x11: {  	[smem:$0x3FB2] =	sst s9;
	s0 =	simm.s32 @!p0 $0x0  }
0x12: {  	s1 =	sld [smem:$0x3F98];
	s0 =	simm.s32 @p0 $0x1  }
0x13: {  	[smem:$0x3FB3] =	sst s0;
	s0 =	simm.s32 @!p1 $0x0  }
0x14: {  	s2 =	sld [smem:$0x3F97];
	s0 =	simm.s32 @p1 $0x1  }
0x15: {  	[smem:$0x3FB4] =	sst s0;
	s0 =	simm.s32 @!p2 $0x0  }
0x16: {  	s3 =	sld [smem:$0x3FDB];
	s0 =	simm.s32 @p2 $0x1  }
0x17: {  	s4 =	simm.s32 $0x1BF5;
	[smem:$0x3FB6] =	sst s0  }
0x18: {  	s0 =	sld [smem:$0x3F99];
	_ =	swait.ge [sflag:s4], $0x0  }
0x19: {  	s7 =	sld [smem:$0x3F9A]  }
0x1a: {  	s8 =	sadd.s32 $0xFFFFE003, lr  }
0x1b: {  	s9 =	sadd.s32 $0xFFFFFEF7, lr;
	s5 =	simm.s32 $0xFFFFFFFF;
	p2 =	slt.u32 s8, $0xFFFFF086  }
0x1c: {  	p1 =	slt.u32 s9, $0xF7A;
	s5 =	simm.s32 @!p2 $0x0  }
0x1d: {  	s5 =	simm.s32 @p1 $0x1;
	p0 =	seq.s32 s7, s2  }
0x1e: {  	s7 =	smul.u32 @!p0 $0xF7A, s2;
	p2 =	seq.s32 @!p0 s5, $0x0  }
0x1f: {  	s9 =	smul.u32 $0xF7A, s1;
	s8 =	simm.s32 @!p0 $0x1BF5;
	p2 =	por !p2, p0  }
0x20: {  	[sflag:s8] =	ssyncset.s32 @!p0 $0xFFFFF086;
	s6 =	sadd.s32 @!p0 s3, s7;
	s7 =	simm.s32 @!p0 $0x108  }
0x21: {  	s3 =	sadd.s32 s3, s9;
	s6 =	sadd.s32 @!p0 $0x88, s6;
	s7 =	simm.s32 @p2 $0x1082  }
0x22: {  	[simem:s7], [sflag:s8] =	dma.local @!p0 [hbm:s6], $0xF7A  }
0x23: {  	s9 =	sor.u32 $0xD0000000, s2;
	s6 =	simm.s32 $0x108;
	_ =	swait.ge @!p0 [sflag:s8], $0x0  }
0x24: {  	s3 =	sadd.s32 $0x88, s3;
	s6 =	simm.s32 @!p1 $0x1082;
	[sflag:s4] =	ssyncset.s32 $0xFFFFF086  }
0x25: {  	[simem:s6], [sflag:s4] =	dma.local [hbm:s3], $0xF7A  }
0x26: {  	[smem:$0x3F9A] =	sst s1;
	(tag) =	ssettag s2;
	_ =	strace s9  }
0x27: {  	s1 =	sld [smem:$0x3FAA]  }
0x28: {  	s2 =	sld [smem:$0x3FAB]  }
0x29: {  	s4 =	sld [smem:$0x3FAD]  }
0x2a: {  	p0 =	seq.s32 s5, $0x0;
	s5 =	sld [smem:$0x3FAE]  }
0x2b: {  	s6 =	sld [smem:$0x3FAF]  }
0x2c: {  	s7 =	sld [smem:$0x3FB0]  }
0x2d: {  	s3 =	simm.s32 $0x108;
	s8 =	sld [smem:$0x3FB1]  }
0x2e: {  	s3 =	simm.s32 @!p0 $0x1082;
	s9 =	sld [smem:$0x3FB2]  }
0x2f: {  	lr =	sadd.s32 s0, s3;
	s0 =	sld [smem:$0x3FA9]  }
0x30: {  	s3 =	sld [smem:$0x3FAC]  }
0x31: {  	[smem:$0x3FB5] =	sst s10  }
0x32: {  	s10 =	sld [smem:$0x3FB3];
	_ =	sdelay $0x3  }
0x33: {  	p0 =	seq.s32 s10, $0x1;
	s10 =	sld [smem:$0x3FB5];
	_ =	sdelay $0x3  }
0x34: {  	[smem:$0x3FB5] =	sst s10  }
0x35: {  	s10 =	sld [smem:$0x3FB4];
	_ =	sdelay $0x3  }
0x36: {  	p1 =	seq.s32 s10, $0x1;
	s10 =	sld [smem:$0x3FB5];
	_ =	sdelay $0x3  }
0x37: {  	[smem:$0x3FB5] =	sst s10  }
0x38: {  	s10 =	sld [smem:$0x3FB6]  }
0x39: {  	_ = 	snop;
	(pc) =	sbr.ind lr, $3  }
0x3a: {  	_ = 	snop  }
0x3b: {  	_ = 	snop  }
0x3c: {  	p2 =	seq.s32 s10, $0x1;
	s10 =	sld [smem:$0x3FB5]  }
0x3d: {  	_ =	shalt  }
0x3e: {  	_ =	shalt  }
0x3f: {  	_ =	shalt  }
0x40: {  	_ =	shalt  }
0x41: {  	_ =	shalt  }
0x42: {  	_ =	shalt  }
0x43: {  	_ =	shalt  }
0x44: {  	_ =	shalt  }
0x45: {  	_ =	shalt  }
0x46: {  	_ =	shalt  }
0x47: {  	_ =	shalt  }
0x48: {  	_ =	shalt  }
0x49: {  	_ =	shalt  }
0x4a: {  	_ =	shalt  }
0x4b: {  	_ =	shalt  }
0x4c: {  	_ =	shalt  }
0x4d: {  	_ =	shalt  }
0x4e: {  	_ =	shalt  }
0x4f: {  	_ =	shalt  }
0x50: {  	_ =	shalt  }
0x51: {  	_ =	shalt  }
0x52: {  	_ =	shalt  }
0x53: {  	_ =	shalt  }
0x54: {  	_ =	shalt  }
0x55: {  	_ =	shalt  }
0x56: {  	_ =	shalt  }
0x57: {  	_ =	shalt  }
0x58: {  	_ =	shalt  }
0x59: {  	_ =	shalt  }
0x5a: {  	_ =	shalt  }
0x5b: {  	_ =	shalt  }
0x5c: {  	_ =	shalt  }
0x5d: {  	_ =	shalt  }
0x5e: {  	_ =	shalt  }
0x5f: {  	_ =	shalt  }
0x60: {  	_ =	shalt  }
0x61: {  	_ =	shalt  }
0x62: {  	_ =	shalt  }
0x63: {  	_ =	shalt  }
0x64: {  	_ =	shalt  }
0x65: {  	_ =	shalt  }
0x66: {  	_ =	shalt  }
0x67: {  	_ =	shalt  }
0x68: {  	_ =	shalt  }
0x69: {  	_ =	shalt  }
0x6a: {  	_ =	shalt  }
0x6b: {  	_ =	shalt  }
0x6c: {  	_ =	shalt  }
0x6d: {  	_ =	shalt  }
0x6e: {  	_ =	shalt  }
0x6f: {  	_ =	shalt  }
0x70: {  	_ =	shalt  }
0x71: {  	_ =	shalt  }
0x72: {  	_ =	shalt  }
0x73: {  	_ =	shalt  }
0x74: {  	_ =	shalt  }
0x75: {  	_ =	shalt  }
0x76: {  	_ =	shalt  }
0x77: {  	_ =	shalt  }
0x78: {  	_ =	shalt  }
0x79: {  	_ =	shalt  }
0x7a: {  	_ =	shalt  }
0x7b: {  	_ =	shalt  }
0x7c: {  	_ =	shalt  }
0x7d: {  	_ =	shalt  }
0x7e: {  	_ =	shalt  }
0x7f: {  	_ =	shalt  }
0x80: {  	_ =	shalt  }
0x81: {  	_ =	shalt  }
0x82: {  	_ =	shalt  }
0x83: {  	_ =	shalt  }
0x84: {  	_ =	shalt  }
0x85: {  	_ =	shalt  }
0x86: {  	_ =	shalt  }
0x87: {  	_ =	shalt  }
.Lfunc_end0:
.L_simem_size_0:
called_computation_lowered:
.L_overlay_start_0:
0x88: {  	s2 =	sld [smem:$0x3FD9]  }
0x89: {  	s3 =	sld [smem:$0x3FFE];
	_ =	sdelay $0x1  }
0x8a: {  	s1 =	srdreg.scid  }
0x8b: {  	s0 =	sand.u32 $0x1, s1  }
0x8c: {  	s17 =	sshll.u32 s0, $0xA;
	s2 =	sadd.s32 s3, s2  }
0x8d: {  	s2 =	sadd.s32 s2, s17  }
0x8e: {  	[smem:$0x3FC1] =	sst s2  }
0x8f: {  	_ = 	snop  }
0x90: {  	s2 =	sld [smem:$0x3FC9]  }
0x91: {  	s18 =	sld [smem:$0x3FC8]  }
0x92: {  	s4 =	sld [smem:$0x3FC4]  }
0x93: {  	s5 =	sld [smem:$0x3FC3]  }
0x94: {  	s6 =	sld [smem:$0x3FD0];
	(tm) =	ssettm $0x1  }
0x95: {  	s7 =	sld [smem:$0x3FFB];
	_ =	sdelay $0x3  }
0x96: {  	_ =	strace s7  }
0x97: {  	s7 =	sld [smem:$0x3FFC];
	_ =	sdelay $0x3  }
0x98: {  	_ =	strace s7  }
0x99: {  	s7 =	sld [smem:$0x3FFD];
	_ =	sdelay $0x3  }
0x9a: {  	_ =	strace s7  }
0x9b: {  	_ =	strace $0x8FFFFFFF  }
0x9c: {  	s19 =	sld [smem:$0x3FDB];
	_ =	sdelay $0x1  }
0x9d: {  	s8 =	simm.s32 $_scs_section_size  }
0x9e: {  	s9 =	simm.s32 $_size__tile_overlayer_lowered;
	s10 =	simm.s32 $_tile_overlayer_lowered  }
0x9f: {  	s22 =	simm.s32 $0x1BFF;
	s21 =	sshll.u32 s10, $0x1;
	s7 =	sadd.s32 s8, s19  }
0xa0: {  	s11 =	simm.s32 $0x0;
	s20 =	sshll.u32 s9, $0x1;
	s9 =	sadd.s32 s21, s7  }
0xa1: {  	[timem:s11], [sflag:s22] =	dma.local [hbm:s9], s20  }
0xa2: {  	_ =	swait.ge [sflag:s22], s20  }
0xa3: {  	s8 =	ssub.s32 $0x0, s20;
	[sflag:s22] =	ssyncset.done $0x0  }
0xa4: {  	[sflag:s22] =	ssyncadd.s32 s8;
	_ =	sdelay $0x1  }
0xa5: {  	s23 =	simm.s32 $0x1B8B  }
0xa6: {  	_ =	swait.ge [sflag:s23], $0x1  }
0xa7: {  	[sflag:s23] =	ssyncset.done $0x0  }
0xa8: {  	s25 =	simm.s32 $0x1B8E;
	s24 =	sld [smem:$0x3FFE];
	[sflag:s23] =	ssyncadd.s32 $0xFFFFFFFF  }
0xa9: {  	s26 =	simm.s32 $execute0_lowered;
	[smem:$0x3FD2] =	sst s25  }
0xaa: {  	s9 =	sshll.u32 s26, $0x1;
	_ =	strace $0x80000046;
	[dreg:$0x1] =	wrdreg $0xFFFFFFFF  }
0xab: {  	s28 =	simm.s32 $_size_execute0_lowered;
	s7 =	sadd.s32 s7, s9;
	[dreg:$0x0] =	wrdreg $0x0  }
0xac: {  	s9 =	sshll.u32 s28, $0x1;
	[dreg:$0x2] =	wrdreg s7  }
0xad: {  	[dreg:$0x3] =	wrdreg s9  }
0xae: {  	[dreg:$0x4] =	wrdreg $0xC0  }
0xaf: {  	_ =	task [dreg:s11], $0x5FFFF  }
0xb0: {  	[dreg:$0x1] =	wrdreg $0xFFFFFFFF  }
0xb1: {  	[dreg:$0x0] =	wrdreg $0x60  }
0xb2: {  	[dreg:$0x2] =	wrdreg s2  }
0xb3: {  	[dreg:$0x3] =	wrdreg s18  }
0xb4: {  	[dreg:$0x4] =	wrdreg s6  }
0xb5: {  	[dreg:$0x5] =	wrdreg s24  }
0xb6: {  	[dreg:$0x6] =	wrdreg s4  }
0xb7: {  	[dreg:$0x7] =	wrdreg s5  }
0xb8: {  	[dreg:$0x8] =	wrdreg $0x0  }
0xb9: {  	[dreg:$0x9] =	wrdreg $0x18800  }
0xba: {  	[dreg:$0xa] =	wrdreg $0x9  }
0xbb: {  	_ =	task.clear_ibuf [dreg:s11], $0xBFFFF;
	_ =	strace $0x90000046  }
0xbc: {  	s29 =	simm.s32 $0x9;
	_ =	strace $0x80000048  }
0xbd: {  	_ =	swait.ge [sflag:s29], $0x1  }
0xbe: {  	[sflag:s29] =	ssyncadd.s32 $0xFFFFFFFF  }
0xbf: {  	_ =	strace $0x90000048  }
0xc0: {  	_ =	sfence  }
0xc1: {  	s30 =	sld [smem:$0x0];
	_ =	sdelay $0x2  }
0xc2: {  	s31 =	sshll.u32 s1, $0xD;
	s1 =	sshrl.u32 s1, $0x2  }
0xc3: {  	s3 =	sand.u32 $0x4000, s31;
	s1 =	sadd.s32 s1, s30  }
0xc4: {  	s0 =	sor.u32 s3, s0;
	s1 =	sshll.u32 s1, $0x11  }
0xc5: {  	s0 =	sor.u32 s1, s0  }
0xc6: {  	s0 =	sadd.s32 $0x8F2B, s0  }
0xc7: {  	[sflag:s0] =	ssyncadd.remote.s32 $0x1  }
0xc8: {  	_ =	sfence.sel $0xFFFF  }
0xc9: {  	[dreg:$0x0] =	wrdreg $0xFFFFFFFF;
	(pc) =	sbr.abs _section_cstart, $3  }
0xca: {  	[dreg:$0x1] =	wrdreg $0xFFFFFFFF  }
0xcb: {  	_ =	task.clear_ibuf [dreg:s11], $0x2FFFF;
	_ =	strace $0x9FFFFFFF  }
0xcc: {  	(tm) =	ssettm $0x7FFFFFFF  }
0xcd: {  	_ =	shalt  }
tec
execute0_lowered:
.L_overlay_start_1:
0x0: {  	(tag) =	ssettag $0x1  }
0x1: {  	s5 =	rddreg [dreg:$0x0]  }
0x2: {  	s7 =	rddreg [dreg:$0x1]  }
0x3: {  	s0 =	rddreg [dreg:$0x2]  }
0x4: {  	s1 =	rddreg [dreg:$0x3]  }
0x5: {  	s13 =	rddreg [dreg:$0x4]  }
0x6: {  	s9 =	rddreg [dreg:$0x5]  }
0x7: {  	s6 =	rddreg [dreg:$0x6]  }
0x8: {  	s11 =	rddreg [dreg:$0x7]  }
0x9: {  	s2 =	srdreg.scid;
	s14 =	stileid.u32  }
0xa: {  	s15 =	simm.s32 $0x0;
	s2 =	sand.u32 $0x1, s2;
	s3 =	smul.u32 $0x1880, s14  }
0xb: {  	s8 =	sshll.u32 s14, $0x1;
	[smem:$0x7FF] =	sst s15;
	s21 =	sadd.s32 $0xE00, s1  }
0xc: {  	s16 =	smul.u32 $0x61A80, s14;
	p0 =	seq.s32 s14, $0xF;
	s14 =	sadd.s32 $0x17ED0, s6  }
0xd: {  	s4 =	smul.u32 $0x18800, s2;
	s8 =	sor.u32 s2, s8;
	_ =	strace $0x80000047  }
0xe: {  	[dreg:$0xa] =	wrdreg s21;
	s22 =	ssub.s32 $0x2, s2;
	s2 =	smul.u32 $0x30D40, s2  }
0xf: {  	[smem:$0x7F2] =	sst s14;
	s12 =	smul.u32 $0x30D40, s8;
	s23 =	sshrl.u32 s22, $0x1  }
0x10: {  	s19 =	sadd.s32 $0x620, s3;
	s21 =	sadd.s32 $0x930, s3;
	s4 =	sadd.s32 s3, s4  }
0x11: {  	s20 =	sshrl.u32 s19, $0x3;
	s4 =	sshrl.u32 s4, $0x3;
	s10 =	sshrl.u32 s12, $0x3  }
0x12: {  	[dreg:$0x9] =	wrdreg s12;
	s24 =	sshrl.u32 s12, $0x2;
	s5 =	sadd.s32 s5, s10  }
0x13: {  	s12 =	sshrl.u32 s3, $0x3;
	s25 =	sadd.s32 s7, s10;
	[dreg:$0xb] =	wrdreg s5  }
0x14: {  	s26 =	sadd.s32 s9, s10;
	s8 =	sand.u32 $0x1FFFE0, s24;
	[dreg:$0xc] =	wrdreg s25  }
0x15: {  	s1 =	sadd.s32 s4, s1;
	[dreg:$0xd] =	wrdreg s26;
	s8 =	sadd.s32 s13, s8  }
0x16: {  	s4 =	ssub.s32 s22, s23;
	s1 =	sadd.s32 $0x4000, s1;
	[dreg:$0xe] =	wrdreg s8  }
0x17: {  	s24 =	sadd.s32 $0xF50, s3;
	s10 =	smax.u32 s4, $0x1;
	[dreg:$0xf] =	wrdreg s1  }
0x18: {  	s5 =	smov.u32 s9;
	s4 =	sadd.s32 s0, s20;
	[dreg:$0x10] =	wrdreg s10  }
0x19: {  	s9 =	smov.u32 s13;
	s20 =	sadd.s32 $0x309E, s0;
	[dreg:$0x15] =	wrdreg s4  }
0x1a: {  	s13 =	sadd.s32 $0x310, s3;
	s1 =	sadd.s32 s0, s12;
	[smem:$0x7E4] =	sst s20  }
0x1b: {  	s26 =	sshrl.u32 s24, $0x3;
	s18 =	sadd.s32 s13, s6;
	[dreg:$0x11] =	wrdreg s1  }
0x1c: {  	s10 =	sadd.s32 s2, s16;
	s2 =	sadd.s32 s21, s6;
	[dreg:$0x13] =	wrdreg s18  }
0x1d: {  	s7 =	sadd.s32 s0, s26;
	[dreg:$0x18] =	wrdreg s2  }
0x1e: {  	s8 =	sadd.s32 s24, s6;
	[dreg:$0x1b] =	wrdreg s7  }
0x1f: {  	s17 =	sshrl.u32 s13, $0x3;
	s13 =	sadd.s32 s3, s6;
	[dreg:$0x1c] =	wrdreg s8  }
0x20: {  	s22 =	sshrl.u32 s21, $0x3;
	s21 =	sadd.s32 $0x2DF0, s0;
	[dreg:$0x1e] =	wrdreg s13  }
0x21: {  	s24 =	sadd.s32 $0x2F16, s0;
	[smem:$0x7E5] =	sst s21  }
0x22: {  	s26 =	sadd.s32 $0x2FDA, s0;
	[smem:$0x7E8] =	sst s24  }
0x23: {  	[smem:$0x7EA] =	sst s26  }
0x24: {  	s23 =	sadd.s32 $0xC40, s3;
	s4 =	sadd.s32 s3, s11;
	[dreg:$0x14] =	wrdreg s10  }
0x25: {  	s25 =	sshrl.u32 s23, $0x3;
	s1 =	sadd.s32 s0, s17;
	[dreg:$0x1d] =	wrdreg s4  }
0x26: {  	s2 =	sadd.s32 s0, s25;
	[dreg:$0x12] =	wrdreg s1  }
0x27: {  	s25 =	sadd.s32 $0x2F78, s0;
	[dreg:$0x19] =	wrdreg s2  }
0x28: {  	s8 =	sadd.s32 $0x17290, s6;
	[smem:$0x7E9] =	sst s25  }
0x29: {  	s7 =	smov.u32 s11;
	s11 =	sadd.s32 $0x175A0, s6;
	[smem:$0x7EE] =	sst s8  }
0x2a: {  	s13 =	sadd.s32 $0x17BC0, s6;
	[smem:$0x7EF] =	sst s11  }
0x2b: {  	s20 =	sadd.s32 $0xC40, s4;
	[smem:$0x7F1] =	sst s13  }
0x2c: {  	s21 =	sadd.s32 $0xF50, s4;
	[smem:$0x7F7] =	sst s20  }
0x2d: {  	s24 =	sadd.s32 $0x190, s10;
	[smem:$0x7F8] =	sst s21  }
0x2e: {  	s12 =	sadd.s32 $0x1260, s3;
	s26 =	sadd.s32 $0x4B0, s10;
	[smem:$0x7FB] =	sst s24  }
0x2f: {  	s17 =	sshrl.u32 s12, $0x3;
	s1 =	sadd.s32 s19, s6;
	[smem:$0x7FD] =	sst s26  }
0x30: {  	s16 =	sadd.s32 $0x1570, s3;
	s3 =	sadd.s32 s0, s17;
	[dreg:$0x16] =	wrdreg s1  }
0x31: {  	s19 =	sadd.s32 s16, s6;
	[dreg:$0x1f] =	wrdreg s3  }
0x32: {  	s2 =	sadd.s32 $0x184F0, s6;
	[smem:$0x7E3] =	sst s19  }
0x33: {  	s18 =	sshrl.u32 s16, $0x3;
	s16 =	sadd.s32 $0x181E0, s6;
	[smem:$0x7EC] =	sst s2  }
0x34: {  	s17 =	sadd.s32 $0x310, s4;
	[smem:$0x7F3] =	sst s16  }
0x35: {  	s28 =	simm.s32 $0x1D6D0;
	s25 =	sadd.s32 $0x320, s10;
	[smem:$0x7F4] =	sst s17  }
0x36: {  	s29 =	simm.s32 $0x3;
	s1 =	sadd.s32 s0, s22;
	[smem:$0x7FC] =	sst s25  }
0x37: {  	s31 =	simm.s32 $0x320;
	s22 =	sadd.s32 $0x2E52, s0;
	[dreg:$0x17] =	wrdreg s1  }
0x38: {  	s30 =	simm.s32 $0x5;
	s3 =	sadd.s32 $0x16F80, s6;
	[smem:$0x7E6] =	sst s22  }
0x39: {  	s14 =	simm.s32 $0x0;
	s19 =	sadd.s32 $0x930, s4;
	[smem:$0x7ED] =	sst s3  }
0x3a: {  	s21 =	simm.s32 $0x3100;
	s1 =	sadd.s32 s23, s6;
	[smem:$0x7F6] =	sst s19  }
0x3b: {  	s11 =	simm.s32 $0x1CED0;
	s23 =	sadd.s32 $0x2EB4, s0;
	[dreg:$0x1a] =	wrdreg s1  }
0x3c: {  	s13 =	simm.s32 $0x190;
	s22 =	sadd.s32 $0x1260, s4;
	[smem:$0x7E7] =	sst s23  }
0x3d: {  	s24 =	simm.s32 $0x1BF30;
	s1 =	sadd.s32 s12, s6;
	[smem:$0x7F9] =	sst s22  }
0x3e: {  	s8 =	simm.s32 $0x4;
	s12 =	sadd.s32 $0x178B0, s6;
	[smem:$0x7E1] =	sst s1  }
0x3f: {  	s25 =	simm.s32 $0x1C570;
	s23 =	sadd.s32 $0x1570, s4;
	[smem:$0x7F0] =	sst s12  }
0x40: {  	s17 =	simm.s32 $0x2;
	s1 =	sadd.s32 s0, s18;
	[smem:$0x7FA] =	sst s23  }
0x41: {  	s2 =	simm.s32 $0x0;
	s0 =	sadd.s32 $0x303C, s0;
	[smem:$0x7E2] =	sst s1  }
0x42: {  	s22 =	simm.s32 $0x7;
	s18 =	sadd.s32 $0x620, s4;
	[smem:$0x7EB] =	sst s0  }
0x43: {  	v0 =	vimm.f32 $0.0e+00;
	v1 =	vlaneseq.u32;
	s12 =	simm.s32 $0x1;
	[smem:$0x7F5] =	sst s18;
	s1 =	simm.s32 $0x1B900  }
.LBB2_1:
.Ltmp0:
0x44: {  	s0 =	rddreg [dreg:$0xa];
	(pc) =	sbr.rel @!p0 .LBB2_2-.Ltmp0, $4  }
0x45: {  	[tilespmem:s21], [sflag:$0x7] =	stream.linear.gather [hbm4b:s0+s15], $0x18800, $0x38;
	[tilespmem:$0x1EB50] =	vst v63  }
0x46: {  	_ =	swait.ge [sflag:s22], $0x18800  }
0x47: {  	[sflag:s22] =	ssyncset.done $0x0  }
0x48: {  	[smem:$0x7E0] =	sst s2;
	[sflag:s22] =	ssyncadd.s32 $0xFFFE7800  }
0x49: {  	s0 =	sld [smem:$0x7E5];
	_ =	sdelay $0x2  }
0x4a: {  	[tilespmem:s1], [sflag:$0x7] =	stream.linear.gather [hbm4b:s0+s15], $0x310, $0x38;
	[tilespmem:$0x1EB50] =	vst v63  }
0x4b: {  	_ =	swait.ge [sflag:s22], $0x310  }
0x4c: {  	s16 =	sld [smem:$0x7ED]  }
0x4d: {  	[sflag:s22] =	ssyncset.done $0x0  }
0x4e: {  	[sflag:s22] =	ssyncadd.s32 $0xFFFFFCF0  }
0x4f: {  	[spmem:s16] =	stream.linear.scatter [tilespmem:s1], [sflag:$0x7], $0x310, $0x38;
	[tilespmem:$0x1EB50] =	vst v63  }
0x50: {  	_ =	swait.ge [sflag:s22], $0x310  }
0x51: {  	s18 =	sld [smem:$0x7E6]  }
0x52: {  	[sflag:s22] =	ssyncset.done $0x0  }
0x53: {  	[sflag:s22] =	ssyncadd.s32 $0xFFFFFCF0  }
0x54: {  	[tilespmem:s1], [sflag:$0x7] =	stream.linear.gather [hbm4b:s18+s15], $0x310, $0x38;
	[tilespmem:$0x1EB50] =	vst v63  }
0x55: {  	_ =	swait.ge [sflag:s22], $0x310  }
0x56: {  	s19 =	sld [smem:$0x7EE]  }
0x57: {  	[sflag:s22] =	ssyncset.done $0x0  }
0x58: {  	[sflag:s22] =	ssyncadd.s32 $0xFFFFFCF0  }
0x59: {  	[spmem:s19] =	stream.linear.scatter [tilespmem:s1], [sflag:$0x7], $0x310, $0x38;
	[tilespmem:$0x1EB50] =	vst v63  }
0x5a: {  	_ =	swait.ge [sflag:s22], $0x310  }
0x5b: {  	s20 =	sld [smem:$0x7E7]  }
0x5c: {  	[sflag:s22] =	ssyncset.done $0x0  }
0x5d: {  	[sflag:s22] =	ssyncadd.s32 $0xFFFFFCF0  }
0x5e: {  	[tilespmem:s1], [sflag:$0x7] =	stream.linear.gather [hbm4b:s20+s15], $0x310, $0x38;
	[tilespmem:$0x1EB50] =	vst v63  }
0x5f: {  	_ =	swait.ge [sflag:s22], $0x310  }
0x60: {  	s23 =	sld [smem:$0x7EF]  }
0x61: {  	[sflag:s22] =	ssyncset.done $0x0  }
0x62: {  	[sflag:s22] =	ssyncadd.s32 $0xFFFFFCF0  }
0x63: {  	[spmem:s23] =	stream.linear.scatter [tilespmem:s1], [sflag:$0x7], $0x310, $0x38;
	[tilespmem:$0x1EB50] =	vst v63  }
0x64: {  	_ =	swait.ge [sflag:s22], $0x310  }
0x65: {  	s26 =	sld [smem:$0x7E8]  }
0x66: {  	[sflag:s22] =	ssyncset.done $0x0  }
0x67: {  	[sflag:s22] =	ssyncadd.s32 $0xFFFFFCF0  }
0x68: {  	[tilespmem:s1], [sflag:$0x7] =	stream.linear.gather [hbm4b:s26+s15], $0x310, $0x38;
	[tilespmem:$0x1EB50] =	vst v63  }
0x69: {  	_ =	swait.ge [sflag:s22], $0x310  }
0x6a: {  	s2 =	sld [smem:$0x7F0]  }
0x6b: {  	[sflag:s22] =	ssyncset.done $0x0  }
0x6c: {  	[sflag:s22] =	ssyncadd.s32 $0xFFFFFCF0  }
0x6d: {  	[spmem:s2] =	stream.linear.scatter [tilespmem:s1], [sflag:$0x7], $0x310, $0x38;
	[tilespmem:$0x1EB50] =	vst v63  }
0x6e: {  	_ =	swait.ge [sflag:s22], $0x310  }
0x6f: {  	s3 =	sld [smem:$0x7E9]  }
0x70: {  	[sflag:s22] =	ssyncset.done $0x0  }
0x71: {  	[sflag:s22] =	ssyncadd.s32 $0xFFFFFCF0  }
0x72: {  	[tilespmem:s1], [sflag:$0x7] =	stream.linear.gather [hbm4b:s3+s15], $0x310, $0x38;
	[tilespmem:$0x1EB50] =	vst v63  }
0x73: {  	_ =	swait.ge [sflag:s22], $0x310  }
0x74: {  	s10 =	sld [smem:$0x7F1]  }
0x75: {  	[sflag:s22] =	ssyncset.done $0x0  }
0x76: {  	[sflag:s22] =	ssyncadd.s32 $0xFFFFFCF0  }
0x77: {  	[spmem:s10] =	stream.linear.scatter [tilespmem:s1], [sflag:$0x7], $0x310, $0x38;
	[tilespmem:$0x1EB50] =	vst v63  }
0x78: {  	_ =	swait.ge [sflag:s22], $0x310  }
0x79: {  	s16 =	sld [smem:$0x7EA]  }
0x7a: {  	[sflag:s22] =	ssyncset.done $0x0  }
0x7b: {  	[sflag:s22] =	ssyncadd.s32 $0xFFFFFCF0  }
0x7c: {  	[tilespmem:s1], [sflag:$0x7] =	stream.linear.gather [hbm4b:s16+s15], $0x310, $0x38;
	[tilespmem:$0x1EB50] =	vst v63  }
0x7d: {  	_ =	swait.ge [sflag:s22], $0x310  }
0x7e: {  	s18 =	sld [smem:$0x7F2]  }
0x7f: {  	[sflag:s22] =	ssyncset.done $0x0  }
0x80: {  	[sflag:s22] =	ssyncadd.s32 $0xFFFFFCF0  }
0x81: {  	[spmem:s18] =	stream.linear.scatter [tilespmem:s1], [sflag:$0x7], $0x310, $0x38;
	[tilespmem:$0x1EB50] =	vst v63  }
0x82: {  	_ =	swait.ge [sflag:s22], $0x310  }
0x83: {  	s19 =	sld [smem:$0x7EB]  }
0x84: {  	[sflag:s22] =	ssyncset.done $0x0  }
0x85: {  	[sflag:s22] =	ssyncadd.s32 $0xFFFFFCF0  }
0x86: {  	[tilespmem:s1], [sflag:$0x7] =	stream.linear.gather [hbm4b:s19+s15], $0x310, $0x38;
	[tilespmem:$0x1EB50] =	vst v63  }
0x87: {  	_ =	swait.ge [sflag:s22], $0x310  }
0x88: {  	s20 =	sld [smem:$0x7F3]  }
0x89: {  	[sflag:s22] =	ssyncset.done $0x0  }
0x8a: {  	[sflag:s22] =	ssyncadd.s32 $0xFFFFFCF0  }
0x8b: {  	[spmem:s20] =	stream.linear.scatter [tilespmem:s1], [sflag:$0x7], $0x310, $0x38;
	[tilespmem:$0x1EB50] =	vst v63  }
0x8c: {  	_ =	swait.ge [sflag:s22], $0x310  }
0x8d: {  	s23 =	sld [smem:$0x7E4]  }
0x8e: {  	[sflag:s22] =	ssyncset.done $0x0  }
0x8f: {  	[sflag:s22] =	ssyncadd.s32 $0xFFFFFCF0  }
0x90: {  	[tilespmem:s1], [sflag:$0x7] =	stream.linear.gather [hbm4b:s23+s15], $0x1B0, $0x38;
	[tilespmem:$0x1EB50] =	vst v63  }
0x91: {  	_ =	swait.ge [sflag:s22], $0x1B0  }
0x92: {  	s26 =	sld [smem:$0x7EC]  }
0x93: {  	[sflag:s22] =	ssyncset.done $0x0  }
.Ltmp1:
0x94: {  	[sflag:s22] =	ssyncadd.s32 $0xFFFFFE50;
	(pc) =	sbr.rel .LBB2_4-.Ltmp1, $4  }
0x95: {  	[spmem:s26] =	stream.linear.scatter [tilespmem:s1], [sflag:$0x7], $0x1B0, $0x38;
	[tilespmem:$0x1EB50] =	vst v63  }
0x96: {  	_ =	swait.ge [sflag:s22], $0x1B0  }
0x97: {  	[sflag:s22] =	ssyncset.done $0x0  }
0x98: {  	[sflag:s22] =	ssyncadd.s32 $0xFFFFFE50  }
.LBB2_2:
0x99: {  	s0 =	rddreg [dreg:$0x11]  }
0x9a: {  	[tilespmem:s1], [sflag:$0x7] =	stream.linear.gather [hbm4b:s0+s15], $0x310, $0x38;
	[tilespmem:$0x1EB50] =	vst v63  }
0x9b: {  	_ =	swait.ge [sflag:s22], $0x310  }
0x9c: {  	[sflag:s22] =	ssyncset.done $0x0  }
0x9d: {  	s16 =	rddreg [dreg:$0x1e];
	[sflag:s22] =	ssyncadd.s32 $0xFFFFFCF0  }
0x9e: {  	[spmem:s16] =	stream.linear.scatter [tilespmem:s1], [sflag:$0x7], $0x310, $0x38;
	[tilespmem:$0x1EB50] =	vst v63  }
0x9f: {  	_ =	swait.ge [sflag:s22], $0x310  }
0xa0: {  	[sflag:s22] =	ssyncset.done $0x0  }
0xa1: {  	s18 =	rddreg [dreg:$0x12];
	[sflag:s22] =	ssyncadd.s32 $0xFFFFFCF0  }
0xa2: {  	[tilespmem:s1], [sflag:$0x7] =	stream.linear.gather [hbm4b:s18+s15], $0x310, $0x38;
	[tilespmem:$0x1EB50] =	vst v63  }
0xa3: {  	_ =	swait.ge [sflag:s22], $0x310  }
0xa4: {  	[sflag:s22] =	ssyncset.done $0x0  }
0xa5: {  	s19 =	rddreg [dreg:$0x13];
	[sflag:s22] =	ssyncadd.s32 $0xFFFFFCF0  }
0xa6: {  	[spmem:s19] =	stream.linear.scatter [tilespmem:s1], [sflag:$0x7], $0x310, $0x38;
	[tilespmem:$0x1EB50] =	vst v63  }
0xa7: {  	_ =	swait.ge [sflag:s22], $0x310  }
0xa8: {  	[sflag:s22] =	ssyncset.done $0x0  }
0xa9: {  	s20 =	rddreg [dreg:$0x15];
	[sflag:s22] =	ssyncadd.s32 $0xFFFFFCF0  }
0xaa: {  	[tilespmem:s1], [sflag:$0x7] =	stream.linear.gather [hbm4b:s20+s15], $0x310, $0x38;
	[tilespmem:$0x1EB50] =	vst v63  }
0xab: {  	_ =	swait.ge [sflag:s22], $0x310  }
0xac: {  	[sflag:s22] =	ssyncset.done $0x0  }
0xad: {  	s23 =	rddreg [dreg:$0x16];
	[sflag:s22] =	ssyncadd.s32 $0xFFFFFCF0  }
0xae: {  	[spmem:s23] =	stream.linear.scatter [tilespmem:s1], [sflag:$0x7], $0x310, $0x38;
	[tilespmem:$0x1EB50] =	vst v63  }
0xaf: {  	_ =	swait.ge [sflag:s22], $0x310  }
0xb0: {  	[sflag:s22] =	ssyncset.done $0x0  }
0xb1: {  	s26 =	rddreg [dreg:$0x17];
	[sflag:s22] =	ssyncadd.s32 $0xFFFFFCF0  }
0xb2: {  	[tilespmem:s1], [sflag:$0x7] =	stream.linear.gather [hbm4b:s26+s15], $0x310, $0x38;
	[tilespmem:$0x1EB50] =	vst v63  }
0xb3: {  	_ =	swait.ge [sflag:s22], $0x310  }
0xb4: {  	[sflag:s22] =	ssyncset.done $0x0  }
0xb5: {  	s2 =	rddreg [dreg:$0x18];
	[sflag:s22] =	ssyncadd.s32 $0xFFFFFCF0  }
0xb6: {  	[spmem:s2] =	stream.linear.scatter [tilespmem:s1], [sflag:$0x7], $0x310, $0x38;
	[tilespmem:$0x1EB50] =	vst v63  }
0xb7: {  	_ =	swait.ge [sflag:s22], $0x310  }
0xb8: {  	[sflag:s22] =	ssyncset.done $0x0  }
0xb9: {  	s3 =	rddreg [dreg:$0x19];
	[sflag:s22] =	ssyncadd.s32 $0xFFFFFCF0  }
0xba: {  	[tilespmem:s1], [sflag:$0x7] =	stream.linear.gather [hbm4b:s3+s15], $0x310, $0x38;
	[tilespmem:$0x1EB50] =	vst v63  }
0xbb: {  	_ =	swait.ge [sflag:s22], $0x310  }
0xbc: {  	[sflag:s22] =	ssyncset.done $0x0  }
0xbd: {  	s10 =	rddreg [dreg:$0x1a];
	[sflag:s22] =	ssyncadd.s32 $0xFFFFFCF0  }
0xbe: {  	[spmem:s10] =	stream.linear.scatter [tilespmem:s1], [sflag:$0x7], $0x310, $0x38;
	[tilespmem:$0x1EB50] =	vst v63  }
0xbf: {  	_ =	swait.ge [sflag:s22], $0x310  }
0xc0: {  	[sflag:s22] =	ssyncset.done $0x0  }
0xc1: {  	s16 =	rddreg [dreg:$0x1b];
	[sflag:s22] =	ssyncadd.s32 $0xFFFFFCF0  }
0xc2: {  	[tilespmem:s1], [sflag:$0x7] =	stream.linear.gather [hbm4b:s16+s15], $0x310, $0x38;
	[tilespmem:$0x1EB50] =	vst v63  }
0xc3: {  	_ =	swait.ge [sflag:s22], $0x310  }
0xc4: {  	[sflag:s22] =	ssyncset.done $0x0  }
0xc5: {  	s18 =	rddreg [dreg:$0x1c];
	[sflag:s22] =	ssyncadd.s32 $0xFFFFFCF0  }
0xc6: {  	[spmem:s18] =	stream.linear.scatter [tilespmem:s1], [sflag:$0x7], $0x310, $0x38;
	[tilespmem:$0x1EB50] =	vst v63  }
0xc7: {  	_ =	swait.ge [sflag:s22], $0x310  }
0xc8: {  	[sflag:s22] =	ssyncset.done $0x0  }
0xc9: {  	s19 =	rddreg [dreg:$0x1f];
	[sflag:s22] =	ssyncadd.s32 $0xFFFFFCF0  }
0xca: {  	[tilespmem:s1], [sflag:$0x7] =	stream.linear.gather [hbm4b:s19+s15], $0x310, $0x38;
	[tilespmem:$0x1EB50] =	vst v63  }
0xcb: {  	_ =	swait.ge [sflag:s22], $0x310  }
0xcc: {  	s20 =	sld [smem:$0x7E1]  }
0xcd: {  	[sflag:s22] =	ssyncset.done $0x0  }
0xce: {  	[sflag:s22] =	ssyncadd.s32 $0xFFFFFCF0  }
0xcf: {  	[spmem:s20] =	stream.linear.scatter [tilespmem:s1], [sflag:$0x7], $0x310, $0x38;
	[tilespmem:$0x1EB50] =	vst v63  }
0xd0: {  	_ =	swait.ge [sflag:s22], $0x310  }
0xd1: {  	s23 =	sld [smem:$0x7E2]  }
0xd2: {  	[sflag:s22] =	ssyncset.done $0x0  }
0xd3: {  	[sflag:s22] =	ssyncadd.s32 $0xFFFFFCF0  }
0xd4: {  	[tilespmem:s1], [sflag:$0x7] =	stream.linear.gather [hbm4b:s23+s15], $0x310, $0x38;
	[tilespmem:$0x1EB50] =	vst v63  }
0xd5: {  	_ =	swait.ge [sflag:s22], $0x310  }
0xd6: {  	s26 =	sld [smem:$0x7E3]  }
0xd7: {  	[sflag:s22] =	ssyncset.done $0x0  }
0xd8: {  	[sflag:s22] =	ssyncadd.s32 $0xFFFFFCF0  }
0xd9: {  	[spmem:s26] =	stream.linear.scatter [tilespmem:s1], [sflag:$0x7], $0x310, $0x38;
	[tilespmem:$0x1EB50] =	vst v63  }
0xda: {  	_ =	swait.ge [sflag:s22], $0x310  }
0xdb: {  	[sflag:s22] =	ssyncset.done $0x0  }
0xdc: {  	[sflag:s22] =	ssyncadd.s32 $0xFFFFFCF0  }
.LBB2_4:
0xdd: {  	[tilespmem:$0x1B900] =	vst v0  }
0xde: {  	[tilespmem:$0x1B910] =	vst v0  }
0xdf: {  	[tilespmem:$0x1B920] =	vst v0  }
0xe0: {  	[tilespmem:$0x1B930] =	vst v0  }
0xe1: {  	[tilespmem:$0x1B940] =	vst v0  }
0xe2: {  	[tilespmem:$0x1B950] =	vst v0  }
0xe3: {  	[tilespmem:$0x1B960] =	vst v0  }
0xe4: {  	[tilespmem:$0x1B970] =	vst v0  }
0xe5: {  	[tilespmem:$0x1B980] =	vst v0  }
0xe6: {  	[tilespmem:$0x1B990] =	vst v0  }
0xe7: {  	[tilespmem:$0x1B9A0] =	vst v0  }
0xe8: {  	[tilespmem:$0x1B9B0] =	vst v0  }
0xe9: {  	[tilespmem:$0x1B9C0] =	vst v0  }
0xea: {  	[tilespmem:$0x1B9D0] =	vst v0  }
0xeb: {  	[tilespmem:$0x1B9E0] =	vst v0  }
0xec: {  	[tilespmem:$0x1B9F0] =	vst v0  }
0xed: {  	[tilespmem:$0x1BA00] =	vst v0  }
0xee: {  	[tilespmem:$0x1BA10] =	vst v0  }
0xef: {  	[tilespmem:$0x1BA20] =	vst v0  }
0xf0: {  	[tilespmem:$0x1BA30] =	vst v0  }
0xf1: {  	[tilespmem:$0x1BA40] =	vst v0  }
0xf2: {  	[tilespmem:$0x1BA50] =	vst v0  }
0xf3: {  	[tilespmem:$0x1BA60] =	vst v0  }
0xf4: {  	[tilespmem:$0x1BA70] =	vst v0  }
0xf5: {  	[tilespmem:$0x1BA80] =	vst v0  }
0xf6: {  	[tilespmem:$0x1BA90] =	vst v0  }
0xf7: {  	[tilespmem:$0x1BAA0] =	vst v0  }
0xf8: {  	[tilespmem:$0x1BAB0] =	vst v0  }
0xf9: {  	[tilespmem:$0x1BAC0] =	vst v0  }
0xfa: {  	[tilespmem:$0x1BAD0] =	vst v0  }
0xfb: {  	[tilespmem:$0x1BAE0] =	vst v0  }
0xfc: {  	[tilespmem:$0x1BAF0] =	vst v0  }
0xfd: {  	[tilespmem:$0x1BB00] =	vst v0  }
0xfe: {  	[tilespmem:$0x1BB10] =	vst v0  }
0xff: {  	[tilespmem:$0x1BB20] =	vst v0  }
0x100: {  	[tilespmem:$0x1BB30] =	vst v0  }
0x101: {  	[tilespmem:$0x1BB40] =	vst v0  }
0x102: {  	[tilespmem:$0x1BB50] =	vst v0  }
0x103: {  	[tilespmem:$0x1BB60] =	vst v0  }
0x104: {  	[tilespmem:$0x1BB70] =	vst v0  }
0x105: {  	[tilespmem:$0x1BB80] =	vst v0  }
0x106: {  	[tilespmem:$0x1BB90] =	vst v0  }
0x107: {  	[tilespmem:$0x1BBA0] =	vst v0  }
0x108: {  	[tilespmem:$0x1BBB0] =	vst v0  }
0x109: {  	[tilespmem:$0x1BBC0] =	vst v0  }
0x10a: {  	[tilespmem:$0x1BBD0] =	vst v0  }
0x10b: {  	[tilespmem:$0x1BBE0] =	vst v0  }
0x10c: {  	[tilespmem:$0x1BBF0] =	vst v0  }
0x10d: {  	[tilespmem:$0x1BC00] =	vst v0  }
0x10e: {  	[spmem:s4] =	stream.linear.scatter [tilespmem:s1], [sflag:$0x7], $0x310, $0x38;
	[tilespmem:$0x1EB50] =	vst v63  }
0x10f: {  	_ =	swait.ge [sflag:s22], $0x310  }
0x110: {  	s0 =	sld [smem:$0x7F4]  }
0x111: {  	[sflag:s22] =	ssyncset.done $0x0  }
0x112: {  	[sflag:s22] =	ssyncadd.s32 $0xFFFFFCF0  }
0x113: {  	[spmem:s0] =	stream.linear.scatter [tilespmem:s1], [sflag:$0x7], $0x310, $0x38;
	[tilespmem:$0x1EB50] =	vst v63  }
0x114: {  	_ =	swait.ge [sflag:s22], $0x310  }
0x115: {  	s23 =	sld [smem:$0x7F5]  }
0x116: {  	[sflag:s22] =	ssyncset.done $0x0  }
0x117: {  	[sflag:s22] =	ssyncadd.s32 $0xFFFFFCF0  }
0x118: {  	[spmem:s23] =	stream.linear.scatter [tilespmem:s1], [sflag:$0x7], $0x310, $0x38;
	[tilespmem:$0x1EB50] =	vst v63  }
0x119: {  	_ =	swait.ge [sflag:s22], $0x310  }
0x11a: {  	s26 =	sld [smem:$0x7F6]  }
0x11b: {  	[sflag:s22] =	ssyncset.done $0x0  }
0x11c: {  	[sflag:s22] =	ssyncadd.s32 $0xFFFFFCF0  }
0x11d: {  	[spmem:s26] =	stream.linear.scatter [tilespmem:s1], [sflag:$0x7], $0x310, $0x38;
	[tilespmem:$0x1EB50] =	vst v63  }
0x11e: {  	_ =	swait.ge [sflag:s22], $0x310  }
0x11f: {  	s2 =	sld [smem:$0x7F7]  }
0x120: {  	[sflag:s22] =	ssyncset.done $0x0  }
0x121: {  	[sflag:s22] =	ssyncadd.s32 $0xFFFFFCF0  }
0x122: {  	[spmem:s2] =	stream.linear.scatter [tilespmem:s1], [sflag:$0x7], $0x310, $0x38;
	[tilespmem:$0x1EB50] =	vst v63  }
0x123: {  	_ =	swait.ge [sflag:s22], $0x310  }
0x124: {  	s3 =	sld [smem:$0x7F8]  }
0x125: {  	[sflag:s22] =	ssyncset.done $0x0  }
0x126: {  	[sflag:s22] =	ssyncadd.s32 $0xFFFFFCF0  }
0x127: {  	[spmem:s3] =	stream.linear.scatter [tilespmem:s1], [sflag:$0x7], $0x310, $0x38;
	[tilespmem:$0x1EB50] =	vst v63  }
0x128: {  	_ =	swait.ge [sflag:s22], $0x310  }
0x129: {  	s4 =	sld [smem:$0x7F9]  }
0x12a: {  	[sflag:s22] =	ssyncset.done $0x0  }
0x12b: {  	[sflag:s22] =	ssyncadd.s32 $0xFFFFFCF0  }
0x12c: {  	[spmem:s4] =	stream.linear.scatter [tilespmem:s1], [sflag:$0x7], $0x310, $0x38;
	[tilespmem:$0x1EB50] =	vst v63  }
0x12d: {  	_ =	swait.ge [sflag:s22], $0x310  }
0x12e: {  	s10 =	sld [smem:$0x7FA]  }
0x12f: {  	[sflag:s22] =	ssyncset.done $0x0  }
0x130: {  	[sflag:s22] =	ssyncadd.s32 $0xFFFFFCF0  }
0x131: {  	[spmem:s10] =	stream.linear.scatter [tilespmem:s1], [sflag:$0x7], $0x310, $0x38;
	[tilespmem:$0x1EB50] =	vst v63  }
0x132: {  	_ =	swait.ge [sflag:s22], $0x310  }
0x133: {  	[sflag:s22] =	ssyncset.done $0x0  }
0x134: {  	[sflag:s22] =	ssyncadd.s32 $0xFFFFFCF0  }
0x135: {  	[bflag:$0x0] =	sbarrier.arrive $0xFFFF  }
0x136: {  	s15 =	rddreg [dreg:$0xb]  }
0x137: {  	s18 =	rddreg [dreg:$0xc]  }
0x138: {  	s20 =	rddreg [dreg:$0xd]  }
0x139: {  	s16 =	simm.s32 $0x1BC10;
	s26 =	rddreg [dreg:$0xe]  }
0x13a: {  	[tilespmem:s16], [sflag:$0x1] =	stream.linear.gather [hbm4b:s15+s14], $0x320, $0x38;
	[tilespmem:$0x1EB50] =	vst v63  }
0x13b: {  	s19 =	simm.s32 $0x1C250;
	s2 =	rddreg [dreg:$0x14]  }
0x13c: {  	[tilespmem:s19], [sflag:$0x1] =	stream.linear.gather [hbm4b:s18+s14], $0x320, $0x38;
	[tilespmem:$0x1EB50] =	vst v63  }
0x13d: {  	s23 =	simm.s32 $0x1C890;
	s15 =	sld [smem:$0x7FD]  }
0x13e: {  	[tilespmem:s23], [sflag:$0x1] =	stream.linear.gather [hbm4b:s20+s14], $0x320, $0x38;
	[tilespmem:$0x1EB50] =	vst v63  }
0x13f: {  	s16 =	sld [smem:$0x7FC]  }
0x140: {  	[tilespmem:s11], [sflag:$0x1] =	stream.linear.gather [hbm4b:s26+s14], $0x800, $0x38;
	[tilespmem:$0x1EB50] =	vst v63  }
0x141: {  	s18 =	simm.s32 $0x0;
	s26 =	sld [smem:$0x7FB]  }
.LBB2_5:
0x142: {  	_ =	swait.ge [sflag:s12], $0x320  }
0x143: {  	[sflag:s12] =	ssyncset.done $0x0  }
0x144: {  	[sflag:s12] =	ssyncadd.s32 $0xFFFFFCE0  }
0x145: {  	_ =	swait.ge [sflag:s12], $0x320  }
0x146: {  	[sflag:s12] =	ssyncset.done $0x0  }
0x147: {  	[sflag:s12] =	ssyncadd.s32 $0xFFFFFCE0  }
0x148: {  	_ =	swait.ge [sflag:s12], $0x320  }
0x149: {  	[sflag:s12] =	ssyncset.done $0x0  }
0x14a: {  	[sflag:s12] =	ssyncadd.s32 $0xFFFFFCE0  }
0x14b: {  	_ =	swait.ge [sflag:s12], $0x800  }
0x14c: {  	s0 =	simm.s32 $0x1C250;
	s1 =	simm.s32 $0x1DED0;
	[sflag:s12] =	ssyncset.done $0x0  }
0x14d: {  	s23 =	smul.u32 $0x640, s18;
	p1 =	seq.s32 s18, $0x0;
	[sflag:s12] =	ssyncadd.s32 $0xFFFFF800  }
0x14e: {  	[tilespmem:s1], [sflag:$0x3] =	stream.indirect.gather [spmem:s6], $0x1, s0, s13, $0xb8;
	[tilespmem:$0x1EB50] =	vst v63  }
0x14f: {  	s4 =	simm.s32 $0x1C3E0;
	s3 =	simm.s32 $0x1E060;
	s0 =	simm.s32 @!p1 $0x6  }
0x150: {  	[tilespmem:s3], [sflag:$0x3] =	stream.indirect.gather [spmem:s6], $0x1, s4, s13, $0xb8;
	[tilespmem:$0x1EB50] =	vst v63  }
0x151: {  	s10 =	rddreg [dreg:$0x9];
	_ =	swait.ge @!p1 [sflag:s0], $0x320  }
0x152: {  	s23 =	sadd.s32 s10, s23;
	[sflag:s0] =	ssyncset.done @!p1 $0x0  }
0x153: {  	s1 =	sadd.s32 $0x320, s23;
	[sflag:s0] =	ssyncadd.s32 @!p1 $0xFFFFFCE0  }
0x154: {  	s19 =	sshrl.u32 s1, $0x3;
	s0 =	rddreg [dreg:$0x0]  }
0x155: {  	s20 =	rddreg [dreg:$0x1];
	s0 =	sadd.s32 s0, s19  }
0x156: {  	[tilespmem:s24], [sflag:$0x2] =	stream.linear.gather [hbm4b:s0+s14], $0x320, $0x38;
	[tilespmem:$0x1EB50] =	vst v63  }
0x157: {  	s10 =	sshrl.u32 s1, $0x7;
	s0 =	sadd.s32 s20, s19  }
0x158: {  	[tilespmem:s25], [sflag:$0x2] =	stream.linear.gather [hbm4b:s0+s14], $0x320, $0x38;
	[tilespmem:$0x1EB50] =	vst v63  }
0x159: {  	s0 =	smin.u32 s10, $0xC348  }
0x15a: {  	s3 =	sadd.s32 s5, s19;
	s4 =	simm.s32 $0x1CBB0;
	s0 =	sshll.u32 s0, $0x5  }
0x15b: {  	[tilespmem:s4], [sflag:$0x2] =	stream.linear.gather [hbm4b:s3+s14], $0x320, $0x38;
	[tilespmem:$0x1EB50] =	vst v63  }
0x15c: {  	s0 =	sadd.s32 s9, s0  }
0x15d: {  	[tilespmem:s28], [sflag:$0x2] =	stream.linear.gather [hbm4b:s0+s14], $0x800, $0x38;
	[tilespmem:$0x1EB50] =	vst v63  }
0x15e: {  	_ =	swait.ge [sflag:s29], $0x190  }
0x15f: {  	[sflag:s29] =	ssyncset.done $0x0  }
0x160: {  	s10 =	simm.s32 $0x0;
	[sflag:s29] =	ssyncadd.s32 $0xFFFFFE70  }
0x161: {  	v2 =	vld [tilespmem:s10+$0x1C250]  }
0x162: {  	v3 =	vld [tilespmem:s10+$0x1BC10]  }
0x163: {  	s0 =	sand.u32 $0x7F, s2  }
0x164: {  	v4 =	vmov s0  }
0x165: {  	v5 =	vor.u32 s0, v1;
	v4 =	vshll.u32 v4, $0x1;
	v6 =	vld [tilespmem:s10+$0x1C890]  }
0x166: {  	v5 =	vand.u32 $0x7F, v5;
	v4 =	vand.u32 $0xFFFFFF00, v4  }
0x167: {  	v4 =	vor.u32 v5, v4  }
0x168: {  	v5 =	vor.u32 $0x80, v4  }
0x169: {  	v2 =	vld.idx.msk [tilespmem:v2+s21+$0x0], $0xffff  }
0x16a: {  	v6 =	vmax.f32 v6, $0.0e+00;
	v3 =	vld.idx.msk [tilespmem:v3+s21+$0x0], $0xffff  }
0x16b: {  	v6 =	vmin.f32 v6, $1.000000000e+00  }
0x16c: {  	v7 =	vld.idx.msk [tilespmem:v4+s11+$0x0], $0xffff;
	v4 =	vsub.f32 $1.000000000e+00, v6  }
0x16d: {  	v8 =	vld.idx.msk [tilespmem:v5+s11+$0x0], $0xffff  }
0x16e: {  	v5 =	vmul.f32 v4, v4;
	v4 =	vmul.f32 v4, v6;
	v6 =	vshll.u32 v2, $0x10  }
0x16f: {  	s19 =	sshrl.u32 s16, $0x7;
	v2 =	vand.u32 $0xFFFF0000, v2;
	v9 =	vshll.u32 v3, $0x10;
	v3 =	vand.u32 $0xFFFF0000, v3  }
0x170: {  	s1 =	smin.u32 s19, $0xC348;
	v6 =	vsub.f32 v6, v9;
	v2 =	vsub.f32 v2, v3  }
0x171: {  	s20 =	sshll.u32 s1, $0x7;
	v4 =	vmul.f32 v4, v5  }
0x172: {  	s1 =	simm.s32 $0x10;
	s19 =	ssub.s32 s15, s20;
	s4 =	sand.u32 $0xFFFFFF80, s2;
	v3 =	vld [tilespmem:s10+$0x1DED0];
	v5 =	vmul.f32 v6, v7;
	v6 =	vmul.f32 v2, v8  }
0x173: {  	s20 =	ssub.s32 s16, s20;
	s3 =	simm.s32 $0x80;
	s4 =	ssub.s32 s26, s4;
	v2 =	vld [tilespmem:s1+$0x1C250]  }
.LBB2_6:
0x174: {  	p1 =	sne.s32 s3, $0x600;
	v7 =	vld [tilespmem:s1+$0x1BC10];
	v4 =	vmul.f32 $-3.565070630e+05, v4;
	v5 =	vadd.f32 v6, v5  }
0x175: {  	s0 =	sadd.s32 $0x10, s0  }
0x176: {  	v6 =	vmov s0;
	v4 =	vmul.f32 v5, v4  }
0x177: {  	v5 =	vor.u32 s0, v1;
	v6 =	vshll.u32 v6, $0x1  }
0x178: {  	v6 =	vand.u32 $0xFFFFFF00, v6;
	v5 =	vand.u32 $0x7F, v5;
	v8 =	vld [tilespmem:s1+$0x1C890];
	v3 =	vmul.f32 v4, v3  }
0x179: {  	v4 =	vor.u32 v5, v6  }
0x17a: {  	v5 =	vor.u32 $0x80, v4;
	[tilespmem:s10+$0x1E510] =	vst v3;
	s10 =	smov.u32 s1  }
0x17b: {  	v2 =	vld.idx.msk [tilespmem:v2+s21+$0x0], $0xffff  }
0x17c: {  	v3 =	vld.idx.msk [tilespmem:v7+s21+$0x0], $0xffff  }
0x17d: {  	v6 =	vmax.f32 v8, $0.0e+00  }
0x17e: {  	v6 =	vmin.f32 v6, $1.000000000e+00;
	v7 =	vld.idx.msk [tilespmem:v4+s11+$0x0], $0xffff  }
0x17f: {  	v4 =	vsub.f32 $1.000000000e+00, v6;
	v8 =	vld.idx.msk [tilespmem:v5+s11+$0x0], $0xffff;
	_ =	sdelay $0x1  }
0x180: {  	v5 =	vmul.f32 v4, v4;
	v4 =	vmul.f32 v4, v6;
	v6 =	vshll.u32 v2, $0x10  }
.Ltmp2:
0x181: {  	v2 =	vand.u32 $0xFFFF0000, v2;
	v9 =	vshll.u32 v3, $0x10;
	v3 =	vand.u32 $0xFFFF0000, v3;
	(pc) =	sbr.rel @p1 .LBB2_6-.Ltmp2, $4  }
0x182: {  	v6 =	vsub.f32 v6, v9;
	v2 =	vsub.f32 v2, v3  }
0x183: {  	v4 =	vmul.f32 v4, v5  }
0x184: {  	s1 =	sshra.s32 s3, $0x2;
	v5 =	vmul.f32 v6, v7;
	v6 =	vmul.f32 v2, v8;
	v3 =	vld [tilespmem:s10+$0x1DED0]  }
0x185: {  	s3 =	sadd.s32 $0x40, s3;
	v2 =	vld [tilespmem:s1+$0x1C250]  }
0x186: {  	_ = 	snop  }
0x187: {  	v7 =	vld [tilespmem:s1+$0x1BC10];
	v4 =	vmul.f32 $-3.565070630e+05, v4;
	v5 =	vadd.f32 v6, v5  }
0x188: {  	s0 =	sadd.s32 $0x10, s0  }
0x189: {  	v6 =	vmov s0;
	v4 =	vmul.f32 v5, v4  }
0x18a: {  	v8 =	vld [tilespmem:s1+$0x1C890];
	v5 =	vor.u32 s0, v1;
	v6 =	vshll.u32 v6, $0x1  }
0x18b: {  	v6 =	vand.u32 $0xFFFFFF00, v6;
	v5 =	vand.u32 $0x7F, v5;
	v3 =	vmul.f32 v4, v3  }
0x18c: {  	v4 =	vor.u32 v5, v6  }
0x18d: {  	v5 =	vor.u32 $0x80, v4;
	[tilespmem:s10+$0x1E510] =	vst v3  }
0x18e: {  	v2 =	vld.idx.msk [tilespmem:v2+s21+$0x0], $0xffff  }
0x18f: {  	v6 =	vmax.f32 v8, $0.0e+00;
	v3 =	vld.idx.msk [tilespmem:v7+s21+$0x0], $0xffff  }
0x190: {  	v6 =	vmin.f32 v6, $1.000000000e+00  }
0x191: {  	v7 =	vsub.f32 $1.000000000e+00, v6;
	v4 =	vld.idx.msk [tilespmem:v4+s11+$0x0], $0xffff  }
0x192: {  	v5 =	vld.idx.msk [tilespmem:v5+s11+$0x0], $0xffff  }
0x193: {  	v8 =	vmul.f32 v7, v7;
	v6 =	vmul.f32 v7, v6;
	v7 =	vshll.u32 v2, $0x10  }
0x194: {  	v2 =	vand.u32 $0xFFFF0000, v2;
	v9 =	vshll.u32 v3, $0x10;
	v3 =	vand.u32 $0xFFFF0000, v3  }
0x195: {  	v7 =	vsub.f32 v7, v9;
	v2 =	vsub.f32 v2, v3  }
0x196: {  	v3 =	vmul.f32 v6, v8  }
0x197: {  	v4 =	vmul.f32 v7, v4;
	v2 =	vmul.f32 v2, v5  }
0x198: {  	v5 =	vld [tilespmem:s1+$0x1DED0]  }
0x199: {  	v3 =	vmul.f32 $-3.565070630e+05, v3;
	v2 =	vadd.f32 v2, v4;
	_ =	sdelay $0x1  }
0x19a: {  	v2 =	vmul.f32 v2, v3;
	_ =	sdelay $0x1  }
0x19b: {  	v2 =	vmul.f32 v2, v5;
	_ =	sdelay $0x1  }
0x19c: {  	[tilespmem:s1+$0x1E510] =	vst v2  }
0x19d: {  	_ =	swait.ge [sflag:s29], $0x190  }
0x19e: {  	[sflag:s29] =	ssyncset.done $0x0  }
0x19f: {  	s10 =	simm.s32 $0x0;
	[sflag:s29] =	ssyncadd.s32 $0xFFFFFE70  }
0x1a0: {  	v2 =	vld [tilespmem:s10+$0x1C3E0]  }
0x1a1: {  	v3 =	vld [tilespmem:s10+$0x1BDA0];
	_ =	sdelay $0x1  }
0x1a2: {  	v4 =	vmov s4  }
0x1a3: {  	v4 =	vshll.u32 v4, $0x1;
	v5 =	vor.u32 s4, v1;
	v6 =	vld [tilespmem:s10+$0x1CA20]  }
0x1a4: {  	v4 =	vand.u32 $0xFFFFFF00, v4;
	v5 =	vand.u32 $0x7F, v5  }
0x1a5: {  	v4 =	vor.u32 v5, v4  }
0x1a6: {  	v5 =	vor.u32 $0x80, v4  }
0x1a7: {  	v2 =	vld.idx.msk [tilespmem:v2+s21+$0x0], $0xffff  }
0x1a8: {  	v6 =	vmax.f32 v6, $0.0e+00;
	v3 =	vld.idx.msk [tilespmem:v3+s21+$0x0], $0xffff  }
0x1a9: {  	v6 =	vmin.f32 v6, $1.000000000e+00  }
0x1aa: {  	v7 =	vld.idx.msk [tilespmem:v4+s11+$0x0], $0xffff;
	v4 =	vsub.f32 $1.000000000e+00, v6  }
0x1ab: {  	v8 =	vld.idx.msk [tilespmem:v5+s11+$0x0], $0xffff  }
0x1ac: {  	v5 =	vmul.f32 v4, v4;
	v4 =	vmul.f32 v4, v6;
	v6 =	vshll.u32 v2, $0x10  }
0x1ad: {  	v2 =	vand.u32 $0xFFFF0000, v2;
	v63 =	vshll.u32 v3, $0x10;
	v3 =	vand.u32 $0xFFFF0000, v3  }
0x1ae: {  	v6 =	vsub.f32 v6, v63;
	v2 =	vsub.f32 v2, v3  }
0x1af: {  	v4 =	vmul.f32 v4, v5  }
0x1b0: {  	s0 =	simm.s32 $0x10;
	v3 =	vld [tilespmem:s10+$0x1E060];
	v5 =	vmul.f32 v6, v7;
	v6 =	vmul.f32 v2, v8  }
0x1b1: {  	s1 =	simm.s32 $0x80;
	v2 =	vld [tilespmem:s0+$0x1C3E0]  }
.LBB2_8:
0x1b2: {  	p1 =	sne.s32 s1, $0x600;
	v7 =	vld [tilespmem:s0+$0x1BDA0];
	v4 =	vmul.f32 $-3.565070630e+05, v4;
	v5 =	vadd.f32 v6, v5  }
0x1b3: {  	s4 =	sadd.s32 $0x10, s4  }
0x1b4: {  	v6 =	vmov s4;
	v4 =	vmul.f32 v5, v4  }
0x1b5: {  	v5 =	vor.u32 s4, v1;
	v6 =	vshll.u32 v6, $0x1  }
0x1b6: {  	v6 =	vand.u32 $0xFFFFFF00, v6;
	v5 =	vand.u32 $0x7F, v5;
	v8 =	vld [tilespmem:s0+$0x1CA20];
	v3 =	vmul.f32 v4, v3  }
0x1b7: {  	v4 =	vor.u32 v5, v6  }
0x1b8: {  	v5 =	vor.u32 $0x80, v4;
	[tilespmem:s10+$0x1E6A0] =	vst v3;
	s10 =	smov.u32 s0  }
0x1b9: {  	v2 =	vld.idx.msk [tilespmem:v2+s21+$0x0], $0xffff  }
0x1ba: {  	v3 =	vld.idx.msk [tilespmem:v7+s21+$0x0], $0xffff  }
0x1bb: {  	v6 =	vmax.f32 v8, $0.0e+00  }
0x1bc: {  	v6 =	vmin.f32 v6, $1.000000000e+00;
	v7 =	vld.idx.msk [tilespmem:v4+s11+$0x0], $0xffff  }
0x1bd: {  	v4 =	vsub.f32 $1.000000000e+00, v6;
	v8 =	vld.idx.msk [tilespmem:v5+s11+$0x0], $0xffff;
	_ =	sdelay $0x1  }
0x1be: {  	v5 =	vmul.f32 v4, v4;
	v4 =	vmul.f32 v4, v6;
	v6 =	vshll.u32 v2, $0x10  }
.Ltmp3:
0x1bf: {  	v2 =	vand.u32 $0xFFFF0000, v2;
	v9 =	vshll.u32 v3, $0x10;
	v3 =	vand.u32 $0xFFFF0000, v3;
	(pc) =	sbr.rel @p1 .LBB2_8-.Ltmp3, $4  }
0x1c0: {  	v6 =	vsub.f32 v6, v9;
	v2 =	vsub.f32 v2, v3  }
0x1c1: {  	v4 =	vmul.f32 v4, v5  }
0x1c2: {  	s0 =	sshra.s32 s1, $0x2;
	v5 =	vmul.f32 v6, v7;
	v6 =	vmul.f32 v2, v8;
	v3 =	vld [tilespmem:s10+$0x1E060]  }
0x1c3: {  	s1 =	sadd.s32 $0x40, s1;
	v2 =	vld [tilespmem:s0+$0x1C3E0]  }
0x1c4: {  	_ = 	snop  }
0x1c5: {  	v7 =	vld [tilespmem:s0+$0x1BDA0];
	v4 =	vmul.f32 $-3.565070630e+05, v4;
	v5 =	vadd.f32 v6, v5  }
0x1c6: {  	s1 =	sadd.s32 $0x10, s4  }
0x1c7: {  	v6 =	vmov s1;
	v4 =	vmul.f32 v5, v4  }
0x1c8: {  	v8 =	vld [tilespmem:s0+$0x1CA20];
	v5 =	vor.u32 s1, v1;
	v6 =	vshll.u32 v6, $0x1  }
0x1c9: {  	v6 =	vand.u32 $0xFFFFFF00, v6;
	v5 =	vand.u32 $0x7F, v5;
	v3 =	vmul.f32 v4, v3  }
0x1ca: {  	v4 =	vor.u32 v5, v6  }
0x1cb: {  	v5 =	vor.u32 $0x80, v4;
	[tilespmem:s10+$0x1E6A0] =	vst v3  }
0x1cc: {  	v2 =	vld.idx.msk [tilespmem:v2+s21+$0x0], $0xffff  }
0x1cd: {  	v6 =	vmax.f32 v8, $0.0e+00;
	v3 =	vld.idx.msk [tilespmem:v7+s21+$0x0], $0xffff  }
0x1ce: {  	v6 =	vmin.f32 v6, $1.000000000e+00  }
0x1cf: {  	v7 =	vsub.f32 $1.000000000e+00, v6;
	v4 =	vld.idx.msk [tilespmem:v4+s11+$0x0], $0xffff  }
0x1d0: {  	v5 =	vld.idx.msk [tilespmem:v5+s11+$0x0], $0xffff  }
0x1d1: {  	v8 =	vmul.f32 v7, v7;
	v6 =	vmul.f32 v7, v6;
	v7 =	vshll.u32 v2, $0x10  }
0x1d2: {  	v2 =	vand.u32 $0xFFFF0000, v2;
	v9 =	vshll.u32 v3, $0x10;
	v3 =	vand.u32 $0xFFFF0000, v3  }
0x1d3: {  	v7 =	vsub.f32 v7, v9;
	v2 =	vsub.f32 v2, v3  }
0x1d4: {  	v3 =	vmul.f32 v6, v8  }
0x1d5: {  	v4 =	vmul.f32 v7, v4;
	v2 =	vmul.f32 v2, v5  }
0x1d6: {  	v5 =	vld [tilespmem:s0+$0x1E060]  }
0x1d7: {  	v3 =	vmul.f32 $-3.565070630e+05, v3;
	v2 =	vadd.f32 v2, v4;
	_ =	sdelay $0x1  }
0x1d8: {  	v2 =	vmul.f32 v2, v3;
	_ =	sdelay $0x1  }
0x1d9: {  	v2 =	vmul.f32 v2, v5;
	_ =	sdelay $0x1  }
0x1da: {  	s4 =	simm.s32 $0x1BC10;
	s10 =	simm.s32 $0x1E510;
	[tilespmem:s0+$0x1E6A0] =	vst v2  }
0x1db: {  	[spmem:s7] =	stream.indirect.scatter.add.f32 [tilespmem:s10], [sflag:$0x5], $0x1, s4, s31, $0xb8;
	[tilespmem:$0x1EB50] =	vst v63  }
0x1dc: {  	_ =	swait.ge [sflag:s17], $0x320  }
0x1dd: {  	[sflag:s17] =	ssyncset.done $0x0  }
0x1de: {  	[sflag:s17] =	ssyncadd.s32 $0xFFFFFCE0  }
0x1df: {  	_ =	swait.ge [sflag:s17], $0x320  }
0x1e0: {  	[sflag:s17] =	ssyncset.done $0x0  }
0x1e1: {  	[sflag:s17] =	ssyncadd.s32 $0xFFFFFCE0  }
0x1e2: {  	_ =	swait.ge [sflag:s17], $0x320  }
0x1e3: {  	[sflag:s17] =	ssyncset.done $0x0  }
0x1e4: {  	[sflag:s17] =	ssyncadd.s32 $0xFFFFFCE0  }
0x1e5: {  	_ =	swait.ge [sflag:s17], $0x800  }
0x1e6: {  	[sflag:s17] =	ssyncset.done $0x0  }
0x1e7: {  	s3 =	simm.s32 $0x1E1F0;
	[sflag:s17] =	ssyncadd.s32 $0xFFFFF800  }
0x1e8: {  	[tilespmem:s3], [sflag:$0x4] =	stream.indirect.gather [spmem:s6], $0x1, s25, s13, $0xb8;
	[tilespmem:$0x1EB50] =	vst v63  }
0x1e9: {  	s4 =	simm.s32 $0x1C700;
	s10 =	simm.s32 $0x1E380  }
0x1ea: {  	[tilespmem:s10], [sflag:$0x4] =	stream.indirect.gather [spmem:s6], $0x1, s4, s13, $0xb8;
	[tilespmem:$0x1EB50] =	vst v63  }
0x1eb: {  	_ =	swait.ge [sflag:s30], $0x320  }
0x1ec: {  	p1 =	seq.s32 s18, $0x7C;
	[sflag:s30] =	ssyncset.done $0x0  }
0x1ed: {  	s0 =	sadd.s32 @!p1 $0x640, s23;
	[sflag:s30] =	ssyncadd.s32 $0xFFFFFCE0  }
0x1ee: {  	s1 =	sshrl.u32 @!p1 s0, $0x3;
	s3 =	rddreg [dreg:$0x0]  }
0x1ef: {  	s4 =	simm.s32 @!p1 $0x0;
	s10 =	simm.s32 @!p1 $0x1BC10;
	s3 =	sadd.s32 @!p1 s3, s1  }
0x1f0: {  	[tilespmem:s10], [sflag:$0x1] =	stream.linear.gather @!p1 [hbm4b:s3+s4], $0x320, $0x38;
	[tilespmem:$0x1EB50] =	vst v63  }
0x1f1: {  	s0 =	sshrl.u32 @!p1 s0, $0x7;
	s3 =	rddreg [dreg:$0x1]  }
0x1f2: {  	s0 =	smin.u32 @!p1 s0, $0xC348;
	s10 =	simm.s32 @!p1 $0x1C250;
	s3 =	sadd.s32 @!p1 s3, s1  }
0x1f3: {  	[tilespmem:s10], [sflag:$0x1] =	stream.linear.gather @!p1 [hbm4b:s3+s4], $0x320, $0x38;
	[tilespmem:$0x1EB50] =	vst v63  }
0x1f4: {  	s0 =	sshll.u32 @!p1 s0, $0x5;
	s1 =	sadd.s32 @!p1 s5, s1;
	s3 =	simm.s32 @!p1 $0x1C890  }
0x1f5: {  	[tilespmem:s3], [sflag:$0x1] =	stream.linear.gather @!p1 [hbm4b:s1+s4], $0x320, $0x38;
	[tilespmem:$0x1EB50] =	vst v63  }
0x1f6: {  	s0 =	sadd.s32 @!p1 s9, s0;
	s1 =	simm.s32 @!p1 $0x1CED0  }
0x1f7: {  	[tilespmem:s1], [sflag:$0x1] =	stream.linear.gather @!p1 [hbm4b:s0+s4], $0x800, $0x38;
	[tilespmem:$0x1EB50] =	vst v63  }
0x1f8: {  	_ =	swait.ge [sflag:s8], $0x190  }
0x1f9: {  	[sflag:s8] =	ssyncset.done $0x0  }
0x1fa: {  	s4 =	simm.s32 $0x0;
	[sflag:s8] =	ssyncadd.s32 $0xFFFFFE70  }
0x1fb: {  	v2 =	vld [tilespmem:s4+$0x1C570]  }
0x1fc: {  	v3 =	vld [tilespmem:s4+$0x1BF30];
	_ =	sdelay $0x1  }
0x1fd: {  	v4 =	vmov s20  }
0x1fe: {  	v4 =	vshll.u32 v4, $0x1;
	v5 =	vor.u32 s20, v1;
	v6 =	vld [tilespmem:s4+$0x1CBB0]  }
0x1ff: {  	v4 =	vand.u32 $0xFFFFFF00, v4;
	v5 =	vand.u32 $0x7F, v5  }
0x200: {  	v4 =	vor.u32 v5, v4  }
0x201: {  	v5 =	vor.u32 $0x80, v4  }
0x202: {  	v2 =	vld.idx.msk [tilespmem:v2+s21+$0x0], $0xffff  }
0x203: {  	v6 =	vmax.f32 v6, $0.0e+00;
	v3 =	vld.idx.msk [tilespmem:v3+s21+$0x0], $0xffff  }
0x204: {  	v6 =	vmin.f32 v6, $1.000000000e+00  }
0x205: {  	v7 =	vld.idx.msk [tilespmem:v4+s28+$0x0], $0xffff;
	v4 =	vsub.f32 $1.000000000e+00, v6  }
0x206: {  	v8 =	vld.idx.msk [tilespmem:v5+s28+$0x0], $0xffff  }
0x207: {  	v5 =	vmul.f32 v4, v4;
	v4 =	vmul.f32 v4, v6;
	v6 =	vshll.u32 v2, $0x10  }
0x208: {  	v2 =	vand.u32 $0xFFFF0000, v2;
	v63 =	vshll.u32 v3, $0x10;
	v3 =	vand.u32 $0xFFFF0000, v3  }
0x209: {  	v6 =	vsub.f32 v6, v63;
	v2 =	vsub.f32 v2, v3  }
0x20a: {  	v4 =	vmul.f32 v4, v5  }
0x20b: {  	s0 =	simm.s32 $0x10;
	v3 =	vld [tilespmem:s4+$0x1E1F0];
	v5 =	vmul.f32 v6, v7;
	v6 =	vmul.f32 v2, v8  }
0x20c: {  	s1 =	simm.s32 $0x80;
	v2 =	vld [tilespmem:s0+$0x1C570]  }
.LBB2_10:
0x20d: {  	p1 =	sne.s32 s1, $0x600;
	v7 =	vld [tilespmem:s0+$0x1BF30];
	v4 =	vmul.f32 $-3.565070630e+05, v4;
	v5 =	vadd.f32 v6, v5  }
0x20e: {  	s20 =	sadd.s32 $0x10, s20  }
0x20f: {  	v6 =	vmov s20;
	v4 =	vmul.f32 v5, v4  }
0x210: {  	v5 =	vor.u32 s20, v1;
	v6 =	vshll.u32 v6, $0x1  }
0x211: {  	v6 =	vand.u32 $0xFFFFFF00, v6;
	v5 =	vand.u32 $0x7F, v5;
	v8 =	vld [tilespmem:s0+$0x1CBB0];
	v3 =	vmul.f32 v4, v3  }
0x212: {  	v4 =	vor.u32 v5, v6  }
0x213: {  	v5 =	vor.u32 $0x80, v4;
	[tilespmem:s4+$0x1E830] =	vst v3;
	s4 =	smov.u32 s0  }
0x214: {  	v2 =	vld.idx.msk [tilespmem:v2+s21+$0x0], $0xffff  }
0x215: {  	v3 =	vld.idx.msk [tilespmem:v7+s21+$0x0], $0xffff  }
0x216: {  	v6 =	vmax.f32 v8, $0.0e+00  }
0x217: {  	v6 =	vmin.f32 v6, $1.000000000e+00;
	v7 =	vld.idx.msk [tilespmem:v4+s28+$0x0], $0xffff  }
0x218: {  	v4 =	vsub.f32 $1.000000000e+00, v6;
	v8 =	vld.idx.msk [tilespmem:v5+s28+$0x0], $0xffff;
	_ =	sdelay $0x1  }
0x219: {  	v5 =	vmul.f32 v4, v4;
	v4 =	vmul.f32 v4, v6;
	v6 =	vshll.u32 v2, $0x10  }
.Ltmp4:
0x21a: {  	v2 =	vand.u32 $0xFFFF0000, v2;
	v9 =	vshll.u32 v3, $0x10;
	v3 =	vand.u32 $0xFFFF0000, v3;
	(pc) =	sbr.rel @p1 .LBB2_10-.Ltmp4, $4  }
0x21b: {  	v6 =	vsub.f32 v6, v9;
	v2 =	vsub.f32 v2, v3  }
0x21c: {  	v4 =	vmul.f32 v4, v5  }
0x21d: {  	s0 =	sshra.s32 s1, $0x2;
	v5 =	vmul.f32 v6, v7;
	v6 =	vmul.f32 v2, v8;
	v3 =	vld [tilespmem:s4+$0x1E1F0]  }
0x21e: {  	s1 =	sadd.s32 $0x40, s1;
	v2 =	vld [tilespmem:s0+$0x1C570]  }
0x21f: {  	_ = 	snop  }
0x220: {  	v7 =	vld [tilespmem:s0+$0x1BF30];
	v4 =	vmul.f32 $-3.565070630e+05, v4;
	v5 =	vadd.f32 v6, v5  }
0x221: {  	s1 =	sadd.s32 $0x10, s20  }
0x222: {  	v6 =	vmov s1;
	v4 =	vmul.f32 v5, v4  }
0x223: {  	v8 =	vld [tilespmem:s0+$0x1CBB0];
	v5 =	vor.u32 s1, v1;
	v6 =	vshll.u32 v6, $0x1  }
0x224: {  	v6 =	vand.u32 $0xFFFFFF00, v6;
	v5 =	vand.u32 $0x7F, v5;
	v3 =	vmul.f32 v4, v3  }
0x225: {  	v4 =	vor.u32 v5, v6  }
0x226: {  	v5 =	vor.u32 $0x80, v4;
	[tilespmem:s4+$0x1E830] =	vst v3  }
0x227: {  	v2 =	vld.idx.msk [tilespmem:v2+s21+$0x0], $0xffff  }
0x228: {  	v6 =	vmax.f32 v8, $0.0e+00;
	v3 =	vld.idx.msk [tilespmem:v7+s21+$0x0], $0xffff  }
0x229: {  	v6 =	vmin.f32 v6, $1.000000000e+00  }
0x22a: {  	v7 =	vsub.f32 $1.000000000e+00, v6;
	v4 =	vld.idx.msk [tilespmem:v4+s28+$0x0], $0xffff  }
0x22b: {  	v5 =	vld.idx.msk [tilespmem:v5+s28+$0x0], $0xffff  }
0x22c: {  	v8 =	vmul.f32 v7, v7;
	v6 =	vmul.f32 v7, v6;
	v7 =	vshll.u32 v2, $0x10  }
0x22d: {  	v2 =	vand.u32 $0xFFFF0000, v2;
	v9 =	vshll.u32 v3, $0x10;
	v3 =	vand.u32 $0xFFFF0000, v3  }
0x22e: {  	v7 =	vsub.f32 v7, v9;
	v2 =	vsub.f32 v2, v3  }
0x22f: {  	v3 =	vmul.f32 v6, v8  }
0x230: {  	v4 =	vmul.f32 v7, v4;
	v2 =	vmul.f32 v2, v5  }
0x231: {  	v5 =	vld [tilespmem:s0+$0x1E1F0]  }
0x232: {  	v3 =	vmul.f32 $-3.565070630e+05, v3;
	v2 =	vadd.f32 v2, v4;
	_ =	sdelay $0x1  }
0x233: {  	v2 =	vmul.f32 v2, v3;
	_ =	sdelay $0x1  }
0x234: {  	v2 =	vmul.f32 v2, v5;
	_ =	sdelay $0x1  }
0x235: {  	[tilespmem:s0+$0x1E830] =	vst v2  }
0x236: {  	_ =	swait.ge [sflag:s8], $0x190  }
0x237: {  	[sflag:s8] =	ssyncset.done $0x0  }
0x238: {  	s4 =	simm.s32 $0x0;
	[sflag:s8] =	ssyncadd.s32 $0xFFFFFE70  }
0x239: {  	v2 =	vld [tilespmem:s4+$0x1C700]  }
0x23a: {  	v3 =	vld [tilespmem:s4+$0x1C0C0];
	_ =	sdelay $0x1  }
0x23b: {  	v4 =	vmov s19  }
0x23c: {  	v4 =	vshll.u32 v4, $0x1;
	v5 =	vor.u32 s19, v1;
	v6 =	vld [tilespmem:s4+$0x1CD40]  }
0x23d: {  	v4 =	vand.u32 $0xFFFFFF00, v4;
	v5 =	vand.u32 $0x7F, v5  }
0x23e: {  	v4 =	vor.u32 v5, v4  }
0x23f: {  	v5 =	vor.u32 $0x80, v4  }
0x240: {  	v2 =	vld.idx.msk [tilespmem:v2+s21+$0x0], $0xffff  }
0x241: {  	v6 =	vmax.f32 v6, $0.0e+00;
	v3 =	vld.idx.msk [tilespmem:v3+s21+$0x0], $0xffff  }
0x242: {  	v6 =	vmin.f32 v6, $1.000000000e+00  }
0x243: {  	v7 =	vld.idx.msk [tilespmem:v4+s28+$0x0], $0xffff;
	v4 =	vsub.f32 $1.000000000e+00, v6  }
0x244: {  	v8 =	vld.idx.msk [tilespmem:v5+s28+$0x0], $0xffff  }
0x245: {  	v5 =	vmul.f32 v4, v4;
	v4 =	vmul.f32 v4, v6;
	v6 =	vshll.u32 v2, $0x10  }
0x246: {  	v2 =	vand.u32 $0xFFFF0000, v2;
	v63 =	vshll.u32 v3, $0x10;
	v3 =	vand.u32 $0xFFFF0000, v3  }
0x247: {  	v6 =	vsub.f32 v6, v63;
	v2 =	vsub.f32 v2, v3  }
0x248: {  	v4 =	vmul.f32 v4, v5  }
0x249: {  	s0 =	simm.s32 $0x10;
	v3 =	vld [tilespmem:s4+$0x1E380];
	v5 =	vmul.f32 v6, v7;
	v6 =	vmul.f32 v2, v8  }
0x24a: {  	s1 =	simm.s32 $0x80;
	v2 =	vld [tilespmem:s0+$0x1C700]  }
.LBB2_12:
0x24b: {  	p1 =	sne.s32 s1, $0x600;
	v7 =	vld [tilespmem:s0+$0x1C0C0];
	v4 =	vmul.f32 $-3.565070630e+05, v4;
	v5 =	vadd.f32 v6, v5  }
0x24c: {  	s19 =	sadd.s32 $0x10, s19  }
0x24d: {  	v6 =	vmov s19;
	v4 =	vmul.f32 v5, v4  }
0x24e: {  	v5 =	vor.u32 s19, v1;
	v6 =	vshll.u32 v6, $0x1  }
0x24f: {  	v6 =	vand.u32 $0xFFFFFF00, v6;
	v5 =	vand.u32 $0x7F, v5;
	v8 =	vld [tilespmem:s0+$0x1CD40];
	v3 =	vmul.f32 v4, v3  }
0x250: {  	v4 =	vor.u32 v5, v6  }
0x251: {  	v5 =	vor.u32 $0x80, v4;
	[tilespmem:s4+$0x1E9C0] =	vst v3;
	s4 =	smov.u32 s0  }
0x252: {  	v2 =	vld.idx.msk [tilespmem:v2+s21+$0x0], $0xffff  }
0x253: {  	v3 =	vld.idx.msk [tilespmem:v7+s21+$0x0], $0xffff  }
0x254: {  	v6 =	vmax.f32 v8, $0.0e+00  }
0x255: {  	v6 =	vmin.f32 v6, $1.000000000e+00;
	v7 =	vld.idx.msk [tilespmem:v4+s28+$0x0], $0xffff  }
0x256: {  	v4 =	vsub.f32 $1.000000000e+00, v6;
	v8 =	vld.idx.msk [tilespmem:v5+s28+$0x0], $0xffff;
	_ =	sdelay $0x1  }
0x257: {  	v5 =	vmul.f32 v4, v4;
	v4 =	vmul.f32 v4, v6;
	v6 =	vshll.u32 v2, $0x10  }
.Ltmp5:
0x258: {  	v2 =	vand.u32 $0xFFFF0000, v2;
	v9 =	vshll.u32 v3, $0x10;
	v3 =	vand.u32 $0xFFFF0000, v3;
	(pc) =	sbr.rel @p1 .LBB2_12-.Ltmp5, $4  }
0x259: {  	v6 =	vsub.f32 v6, v9;
	v2 =	vsub.f32 v2, v3  }
0x25a: {  	v4 =	vmul.f32 v4, v5  }
0x25b: {  	s0 =	sshra.s32 s1, $0x2;
	v5 =	vmul.f32 v6, v7;
	v6 =	vmul.f32 v2, v8;
	v3 =	vld [tilespmem:s4+$0x1E380]  }
0x25c: {  	s1 =	sadd.s32 $0x40, s1;
	v2 =	vld [tilespmem:s0+$0x1C700]  }
0x25d: {  	_ = 	snop  }
0x25e: {  	v7 =	vld [tilespmem:s0+$0x1C0C0];
	v4 =	vmul.f32 $-3.565070630e+05, v4;
	v5 =	vadd.f32 v6, v5  }
0x25f: {  	s1 =	sadd.s32 $0x10, s19  }
0x260: {  	v56 =	vmov s1;
	v4 =	vmul.f32 v5, v4  }
0x261: {  	v8 =	vld [tilespmem:s0+$0x1CD40];
	v57 =	vor.u32 s1, v1;
	v6 =	vshll.u32 v56, $0x1  }
0x262: {  	v5 =	vand.u32 $0x7F, v57;
	v6 =	vand.u32 $0xFFFFFF00, v6;
	v3 =	vmul.f32 v4, v3  }
0x263: {  	v58 =	vor.u32 v5, v6  }
0x264: {  	v5 =	vor.u32 $0x80, v58;
	[tilespmem:s4+$0x1E9C0] =	vst v3  }
0x265: {  	v2 =	vld.idx.msk [tilespmem:v2+s21+$0x0], $0xffff  }
0x266: {  	v59 =	vmax.f32 v8, $0.0e+00;
	v3 =	vld.idx.msk [tilespmem:v7+s21+$0x0], $0xffff  }
0x267: {  	v6 =	vmin.f32 v59, $1.000000000e+00  }
0x268: {  	v60 =	vsub.f32 $1.000000000e+00, v6;
	v4 =	vld.idx.msk [tilespmem:v58+s28+$0x0], $0xffff  }
0x269: {  	v5 =	vld.idx.msk [tilespmem:v5+s28+$0x0], $0xffff  }
0x26a: {  	v61 =	vmul.f32 v60, v60;
	v6 =	vmul.f32 v60, v6;
	v62 =	vshll.u32 v2, $0x10  }
0x26b: {  	v2 =	vand.u32 $0xFFFF0000, v2;
	v9 =	vshll.u32 v3, $0x10;
	v3 =	vand.u32 $0xFFFF0000, v3  }
0x26c: {  	v7 =	vsub.f32 v62, v9;
	v2 =	vsub.f32 v2, v3  }
0x26d: {  	v3 =	vmul.f32 v6, v61  }
0x26e: {  	v4 =	vmul.f32 v7, v4;
	v2 =	vmul.f32 v2, v5  }
0x26f: {  	v63 =	vld [tilespmem:s0+$0x1E380]  }
0x270: {  	v3 =	vmul.f32 $-3.565070630e+05, v3;
	v2 =	vadd.f32 v2, v4  }
0x271: {  	s18 =	sadd.s32 $0x1, s18  }
0x272: {  	p1 =	sne.s32 s18, $0x7D;
	v2 =	vmul.f32 v2, v3  }
.Ltmp6:
0x273: {  	_ = 	snop;
	(pc) =	sbr.rel @p1 .LBB2_5-.Ltmp6, $4  }
0x274: {  	v2 =	vmul.f32 v2, v63  }
0x275: {  	s23 =	simm.s32 $0x1E830;
	s2 =	sadd.s32 $0x640, s2  }
0x276: {  	s26 =	sadd.s32 $0x640, s26;
	s16 =	sadd.s32 $0x640, s16;
	s15 =	sadd.s32 $0x640, s15;
	[tilespmem:s0+$0x1E9C0] =	vst v2  }
0x277: {  	[spmem:s7] =	stream.indirect.scatter.add.f32 [tilespmem:s23], [sflag:$0x6], $0x1, s24, s31, $0xb8;
	[tilespmem:$0x1EB50] =	vst v63  }
0x278: {  	s0 =	simm.s32 $0x6  }
0x279: {  	_ =	swait.ge [sflag:s0], $0x320  }
0x27a: {  	[sflag:s0] =	ssyncset.done $0x0  }
0x27b: {  	[sflag:s0] =	ssyncadd.s32 $0xFFFFFCE0  }
0x27c: {  	s20 =	stileid.u32;
	[bflag:$0x0] =	sbarrier.arrive $0xFFFF  }
0x27d: {  	s0 =	sshll.u32 s20, $0x6;
	s4 =	rddreg [dreg:$0x1d]  }
0x27e: {  	s0 =	sor.u32 $0x1C07, s0;
	s2 =	rddreg [dreg:$0xf];
	s1 =	sshrl.u32 s4, $0x3  }
0x27f: {  	[hbm:s2], [sflag:s0] =	dma.local [spmem:s1], $0x310  }
0x280: {  	_ =	swait.ge [sflag:s22], $0x310  }
0x281: {  	s23 =	sld [smem:$0x7E0];
	_ =	sdelay $0x2  }
0x282: {  	s26 =	rddreg [dreg:$0x10];
	s2 =	sadd.s32 $0x1, s23  }
0x283: {  	p1 =	sne.s32 s2, s26  }
.Ltmp7:
0x284: {  	_ = 	snop;
	(pc) =	sbr.rel @p1 .LBB2_1-.Ltmp7, $3  }
0x285: {  	_ =	sdelay $0x1  }
0x286: {  	[sflag:s22] =	ssyncset.done $0x0  }
0x287: {  	s15 =	simm.s32 $0x0;
	s1 =	simm.s32 $0x1B900;
	[sflag:s22] =	ssyncadd.s32 $0xFFFFFCF0  }
0x288: {  	_ =	sfence.sel $0x180000  }
0x289: {  	[bflag:$0x0] =	sbarrier.arrive $0xFFFF  }
0x28a: {  	_ =	strace $0x90000047  }
0x28b: {  	s0 =	stileid.u32;
	[bflag:$0x2] =	sbarrier.arrive $0xFFFF  }
0x28c: {  	p0 =	sne.s32 s0, $0x0;
	s0 =	rddreg [dreg:$0x8]  }
0x28d: {  	s0 =	sadd.s32 @!p0 $0x100000, s0  }
0x28e: {  	[sflag:s0] =	ssyncadd.tile.s32 @!p0 $0x1;
	_ =	shalt  }
.Lfunc_end2:
_tile_overlayer_lowered:
.L_overlay_start_2:
0x28f: {  	(tag) =	ssettag $0x2  }
0x290: {  	s0 =	rddreg [dreg:$0x0];
	s2 =	stileid.u32  }
0x291: {  	s1 =	rddreg [dreg:$0x1];
	p0 =	sne.s32 s2, $0x0  }
0x292: {  	s3 =	rddreg [dreg:$0x2];
	[bflag:$0x3] =	sbarrier.arrive $0xFFFF;
	s2 =	simm.s32 @!p0 $0x1C07  }
0x293: {  	[timem:s3], [sflag:s2] =	dma.local @!p0 [hbm:s0], s1  }
0x294: {  	s0 =	simm.s32 @!p0 $0x7  }
0x295: {  	_ =	swait.ge @!p0 [sflag:s0], s1  }
0x296: {  	s1 =	ssub.s32 @!p0 $0x0, s1;
	[sflag:s0] =	ssyncset.done @!p0 $0x0  }
0x297: {  	[sflag:s0] =	ssyncadd.s32 @!p0 s1  }
0x298: {  	[bflag:$0x3] =	sbarrier.arrive $0xFFFF  }
0x299: {  	_ =	shalt  }

</sc_bundles>
